<compile_context>
chip_gen: v7x
topology: tpu7x:2x2x1
jax: 0.10.2.dev20260603
libtpu: 0.0.44.dev20260713+nightly
codegen_flags: <defaults>
</compile_context>

<pallas_src>
import functools

import jax
import jax.numpy as jnp
from jax import lax
from jax.experimental import pallas as pl
from jax.experimental.pallas import tpu as pltpu
from jax.experimental.pallas import tpu_sc as plsc

N = 10000
E = 320000
D = 128
H = 256

NC = 2
NS = 16
LANES = 16
NW = NC * NS
EPW = E // NW
CB = 80
NCHUNK = EPW // CB
CBH = CB // 2


def _bn_body(x_ref, g_ref, b_ref, m_ref, v_ref, o_ref):
    inv = g_ref[...] * lax.rsqrt(v_ref[...] + 1e-5)
    o_ref[...] = (x_ref[...] - m_ref[...]) * inv + b_ref[...]


def _batchnorm(x, gamma, beta, mean, var):
    blk = 2000
    return pl.pallas_call(
        _bn_body,
        grid=(N // blk,),
        in_specs=[
            pl.BlockSpec((blk, D), lambda i: (i, 0)),
            pl.BlockSpec((1, D), lambda i: (0, 0)),
            pl.BlockSpec((1, D), lambda i: (0, 0)),
            pl.BlockSpec((1, D), lambda i: (0, 0)),
            pl.BlockSpec((1, D), lambda i: (0, 0)),
        ],
        out_specs=pl.BlockSpec((blk, D), lambda i: (i, 0)),
        out_shape=jax.ShapeDtypeStruct((N, D), jnp.float32),
    )(x, gamma.reshape(1, D), beta.reshape(1, D), mean.reshape(1, D),
      var.reshape(1, D))


def _proj_body(lo_ref, hi_ref, w_ref, b_ref, o_ref):
    alo = jnp.dot(lo_ref[...], w_ref[...],
                  preferred_element_type=jnp.float32) + b_ref[...]
    ahi = jnp.dot(hi_ref[...], w_ref[...],
                  preferred_element_type=jnp.float32) + b_ref[...]
    lo = lax.bitcast_convert_type(alo.astype(jnp.bfloat16),
                                  jnp.uint16).astype(jnp.int32)
    hi = lax.bitcast_convert_type(ahi.astype(jnp.bfloat16),
                                  jnp.uint16).astype(jnp.int32)
    o_ref[...] = lo | (hi << 16)


def _edge_project(edge_attr, lin_W, lin_b):
    blk = 2000
    nblk = (E // 2) // blk
    return pl.pallas_call(
        _proj_body,
        grid=(nblk,),
        in_specs=[
            pl.BlockSpec((blk, D), lambda i: (i, 0)),
            pl.BlockSpec((blk, D), lambda i: (i + nblk, 0)),
            pl.BlockSpec((D, D), lambda i: (0, 0)),
            pl.BlockSpec((1, D), lambda i: (0, 0)),
        ],
        out_specs=pl.BlockSpec((blk, D), lambda i: (i, 0)),
        out_shape=jax.ShapeDtypeStruct((E // 2, D), jnp.int32),
    )(edge_attr, edge_attr, lin_W, lin_b.reshape(1, D))


def _sc_aggregate_body(h_hbm, e_hbm, src_hbm, dst_hbm, zeros_hbm, out_hbm,
                       acc, slo_v, shi_v, dst_v, ebuf, hbuf,
                       dsem, esem, gsem, scsem):
    cid = lax.axis_index("c")
    sid = lax.axis_index("s")
    wid = sid * NC + cid

    rpt = 624
    rslice = pl.ds(sid * rpt, rpt)
    tail = pl.ds(NS * rpt, N - NS * rpt)
    pltpu.sync_copy(zeros_hbm.at[rslice, :], acc.at[rslice, :])

    @pl.when(sid == NS - 1)
    def _():
        pltpu.sync_copy(zeros_hbm.at[tail, :], acc.at[tail, :])

    EPW2 = EPW // 2
    w_base2 = wid * EPW2
    EH = E // 2

    pltpu.sync_copy(src_hbm.at[pl.ds(w_base2, EPW2)], slo_v)
    pltpu.sync_copy(src_hbm.at[pl.ds(EH + w_base2, EPW2)], shi_v)

    plsc.subcore_barrier()

    def dst_copy(c, slot):
        pltpu.async_copy(dst_hbm.at[pl.ds(w_base2 + c * CBH, CBH)],
                         dst_v.at[slot, pl.ds(0, CBH)], dsem)
        pltpu.async_copy(dst_hbm.at[pl.ds(EH + w_base2 + c * CBH, CBH)],
                         dst_v.at[slot, pl.ds(CBH, CBH)], dsem)

    def dst_wait():
        pltpu.make_async_copy(dst_hbm.at[pl.ds(0, CB)], dst_v.at[0],
                              dsem).wait()

    def data_copy(c, slot):
        pltpu.async_copy(e_hbm.at[wid * NCHUNK + c], ebuf.at[slot], esem)
        pltpu.async_copy(h_hbm.at[slo_v.at[pl.ds(c * CBH, CBH)]],
                         hbuf.at[slot, pl.ds(0, CBH)], gsem)
        pltpu.async_copy(h_hbm.at[shi_v.at[pl.ds(c * CBH, CBH)]],
                         hbuf.at[slot, pl.ds(CBH, CBH)], gsem)

    def data_wait(slot):
        pltpu.make_async_copy(e_hbm.at[0], ebuf.at[slot], esem).wait()
        pltpu.make_async_copy(h_hbm.at[slo_v.at[pl.ds(0, CBH)]],
                              hbuf.at[slot, pl.ds(0, CBH)], gsem).wait()
        pltpu.make_async_copy(h_hbm.at[shi_v.at[pl.ds(0, CBH)]],
                              hbuf.at[slot, pl.ds(CBH, CBH)], gsem).wait()

    def scatter_wait():
        pltpu.make_async_copy(hbuf.at[0], acc.at[dst_v.at[0]], scsem).wait()

    dst_copy(0, 0)
    dst_copy(1, 1)
    dst_wait()
    dst_wait()
    data_copy(0, 0)

    MASK = jnp.int32(-65536)

    def chunk_body(c, carry):
        slot = lax.rem(c, 2)

        @pl.when(c >= 1)
        def _():
            scatter_wait()

        @pl.when(jnp.logical_and(c >= 1, c + 1 < NCHUNK))
        def _():
            dst_copy(c + 1, 1 - slot)

        @pl.when(c + 1 < NCHUNK)
        def _():
            data_copy(c + 1, 1 - slot)

        data_wait(slot)

        eb = ebuf.at[slot]
        hb = hbuf.at[slot]

        @plsc.parallel_loop(0, CBH, step=1, unroll=4)
        def _(q):
            for j in range(D // LANES):
                sl = pl.ds(j * LANES, LANES)
                ew = eb[q, sl]
                e0 = lax.bitcast_convert_type(ew << 16, jnp.float32)
                e1 = lax.bitcast_convert_type(ew & MASK, jnp.float32)
                hb[q, sl] = jnp.maximum(e0 + hb[q, sl], 0.0)
                hb[q + CBH, sl] = jnp.maximum(e1 + hb[q + CBH, sl], 0.0)

        @pl.when(c >= 2)
        def _():
            dst_wait()

        pltpu.async_copy(hbuf.at[slot], acc.at[dst_v.at[slot]], scsem,
                         add=True)

        return carry

    lax.fori_loop(0, NCHUNK, chunk_body, 0)
    scatter_wait()
    plsc.subcore_barrier()
    pltpu.sync_copy(acc.at[rslice, :], out_hbm.at[cid, rslice, :])

    @pl.when(sid == NS - 1)
    def _():
        pltpu.sync_copy(acc.at[tail, :], out_hbm.at[cid, tail, :])


@functools.cache
def _sc_aggregate_fn():
    return pl.kernel(
        _sc_aggregate_body,
        mesh=plsc.VectorSubcoreMesh(core_axis_name="c", subcore_axis_name="s"),
        out_type=jax.ShapeDtypeStruct((NC, N, D), jnp.float32),
        scratch_types=[
            pltpu.VMEM_SHARED((N, D), jnp.float32),
            pltpu.VMEM((EPW // 2,), jnp.int32),
            pltpu.VMEM((EPW // 2,), jnp.int32),
            pltpu.VMEM((2, CB), jnp.int32),
            pltpu.VMEM((2, CBH, D), jnp.int32),
            pltpu.VMEM((2, CB, D), jnp.float32),
            pltpu.SemaphoreType.DMA,
            pltpu.SemaphoreType.DMA,
            pltpu.SemaphoreType.DMA,
            pltpu.SemaphoreType.DMA,
        ],
    )


def _gelu_exact(v):
    return 0.5 * v * (1.0 + lax.erf(v * 0.7071067811865476))


def _mlp_body(x_ref, h_ref, a_ref, eps_ref, w1_ref, b1_ref,
              w2_ref, b2_ref, o_ref):
    eps = eps_ref[0]
    z = (1.0 + eps) * h_ref[...] + a_ref[0] + a_ref[1]
    hid = jnp.dot(z, w1_ref[...], preferred_element_type=jnp.float32) + b1_ref[...]
    hid = _gelu_exact(hid)
    oc = jnp.dot(hid, w2_ref[...], preferred_element_type=jnp.float32) + b2_ref[...]
    o_ref[...] = x_ref[...] + _gelu_exact(oc)


def _mlp_residual(x, h, agg, eps, W1, b1, W2, b2):
    blk = 2000
    return pl.pallas_call(
        _mlp_body,
        grid=(N // blk,),
        in_specs=[
            pl.BlockSpec((blk, D), lambda i: (i, 0)),
            pl.BlockSpec((blk, D), lambda i: (i, 0)),
            pl.BlockSpec((2, blk, D), lambda i: (0, i, 0)),
            pl.BlockSpec(memory_space=pltpu.SMEM),
            pl.BlockSpec((D, H), lambda i: (0, 0)),
            pl.BlockSpec((1, H), lambda i: (0, 0)),
            pl.BlockSpec((H, D), lambda i: (0, 0)),
            pl.BlockSpec((1, D), lambda i: (0, 0)),
        ],
        out_specs=pl.BlockSpec((blk, D), lambda i: (i, 0)),
        out_shape=jax.ShapeDtypeStruct((N, D), jnp.float32),
    )(x, h, agg, eps.reshape(1), W1, b1.reshape(1, H), W2, b2.reshape(1, D))


def kernel(x, edge_index, edge_attr, bn_gamma, bn_beta, bn_mean, bn_var, eps,
           lin_W, lin_b, W1, b1, W2, b2):
    h = _batchnorm(x, bn_gamma, bn_beta, bn_mean, bn_var)
    e32 = _edge_project(edge_attr, lin_W, lin_b).reshape(NW * NCHUNK, CBH, D)
    src = edge_index[0]
    dst = edge_index[1]
    zeros = jnp.zeros((N, D), dtype=jnp.float32)
    agg = _sc_aggregate_fn()(h, e32, src, dst, zeros)
    return _mlp_residual(x, h, agg, eps, W1, b1, W2, b2)

# --- scband reference (transcript-rebuilt; emitter-appended) ---
"""Pipeline reference for scband-gin-71665824301262 (READ-ONLY COPY).

The authoritative reference and input builder live on the scoring server;
editing this copy changes nothing except your own understanding.
"""

import jax, jax.numpy as jnp
import numpy as np

N = 10000
E = 320000
D = 128
H = 256  # int(dim * mlp_ratio)

def setup_inputs(seed: int = 0) -> dict:
    key = jax.random.key(seed)
    ks = jax.random.split(key, 10)
    x = jax.random.normal(ks[0], (N, D), dtype=jnp.float32)
    edge_index = jax.random.randint(ks[1], (2, E), 0, N, dtype=jnp.int32)
    edge_attr = jax.random.normal(ks[2], (E, D), dtype=jnp.float32)
    # BatchNorm1d params/buffers (eval mode)
    bn_gamma = jnp.ones((D,), dtype=jnp.float32)
    bn_beta = jnp.zeros((D,), dtype=jnp.float32)
    bn_mean = jnp.zeros((D,), dtype=jnp.float32)
    bn_var = jnp.ones((D,), dtype=jnp.float32)
    # GINEConv trainable eps (train_eps=True, init 0.0)
    eps = jnp.zeros((), dtype=jnp.float32)
    # GINEConv edge projection Linear(edge_dim=D, D)
    lin_W = jax.random.normal(ks[3], (D, D), dtype=jnp.float32) * 0.05
    lin_b = jnp.zeros((D,), dtype=jnp.float32)
    # FeedForward MLP: Linear(D,H) -> GELU -> Linear(H,D)
    W1 = jax.random.normal(ks[4], (D, H), dtype=jnp.float32) * 0.05
    b1 = jnp.zeros((H,), dtype=jnp.float32)
    W2 = jax.random.normal(ks[5], (H, D), dtype=jnp.float32) * 0.05
    b2 = jnp.zeros((D,), dtype=jnp.float32)
    return {"x": x, "edge_index": edge_index, "edge_attr": edge_attr,
            "bn_gamma": bn_gamma, "bn_beta": bn_beta, "bn_mean": bn_mean, "bn_var": bn_var,
            "eps": eps, "lin_W": lin_W, "lin_b": lin_b,
            "W1": W1, "b1": b1, "W2": W2, "b2": b2}

def reference(x, edge_index, edge_attr, bn_gamma, bn_beta, bn_mean, bn_var, eps,
              lin_W, lin_b, W1, b1, W2, b2):
    # norm (BatchNorm1d, eval semantics with running stats)
    h = (x - bn_mean) / jnp.sqrt(bn_var + 1e-5) * bn_gamma + bn_beta
    src = edge_index[0]
    dst = edge_index[1]
    # GINEConv: message = ReLU(x_j + lin(edge_attr)), aggregated by sum at dst
    e = edge_attr @ lin_W + lin_b
    msg = jax.nn.relu(jnp.take(h, src, axis=0) + e)
    agg = jax.ops.segment_sum(msg, dst, num_segments=N)
    z = (1.0 + eps) * h + agg
    # FeedForward nn (dropout is identity in eval)
    hid = jax.nn.gelu(z @ W1 + b1, approximate=False)
    out_conv = hid @ W2 + b2
    # act + drop_path(identity in eval) + residual
    return x + jax.nn.gelu(out_conv, approximate=False)

if __name__ == "__main__":
    import jax
    _d = setup_inputs()
    print(jax.jit(kernel)(*tuple(_d.values())))

</pallas_src>

<mosaic_0001>
#map = affine_map<(d0, d1) -> (0, 0)>
#map1 = affine_map<(d0, d1) -> (0, 0, 0)>
#map2 = affine_map<(d0, d1) -> (0)>
module attributes {stable_mosaic.version = 14 : i64} {
  func.func @_sc_aggregate_body(%arg0: i32, %arg1: i32, %arg2: memref<10000x128xf32, #tpu.memory_space<hbm>>, %arg3: memref<4000x40x128xi32, #tpu.memory_space<hbm>>, %arg4: memref<320000xi32, #tpu.memory_space<hbm>>, %arg5: memref<320000xi32, #tpu.memory_space<hbm>>, %arg6: memref<10000x128xf32, #tpu.memory_space<hbm>>, %arg7: memref<2x10000x128xf32, #tpu.memory_space<hbm>>, %arg8: memref<10000x128xf32, #tpu.memory_space<vmem_shared>>, %arg9: memref<5000xi32, #tpu.memory_space<vmem>>, %arg10: memref<5000xi32, #tpu.memory_space<vmem>>, %arg11: memref<2x80xi32, #tpu.memory_space<vmem>>, %arg12: memref<2x40x128xi32, #tpu.memory_space<vmem>>, %arg13: memref<2x80x128xf32, #tpu.memory_space<vmem>>, %arg14: memref<!tpu.dma_semaphore, #tpu.memory_space<semaphore_mem>>, %arg15: memref<!tpu.dma_semaphore, #tpu.memory_space<semaphore_mem>>, %arg16: memref<!tpu.dma_semaphore, #tpu.memory_space<semaphore_mem>>, %arg17: memref<!tpu.dma_semaphore, #tpu.memory_space<semaphore_mem>>) attributes {dimension_semantics = [#tpu.dimension_semantics<core_parallel>, #tpu.dimension_semantics<subcore_parallel>], iteration_bounds = array<i64: 2, 16>, scalar_prefetch = 0 : i64, scratch_operands = 10 : i64, tpu.core_type = #tpu.core_type<sc_vector_subcore>, window_params = [{transform_indices = #map}, {transform_indices = #map1}, {transform_indices = #map2}, {transform_indices = #map2}, {transform_indices = #map}, {transform_indices = #map1}]} {
    %mul3A = arith.constant 2 : i32
    %mul3A_0 = arith.muli %arg1, %mul3A : i32
    %add3A = arith.addi %mul3A_0, %arg0 : i32
    %mul3A_1 = arith.constant 624 : i32
    %mul3A_2 = arith.muli %arg1, %mul3A_1 : i32
    "tpu.region"() ({
      %run_scoped3A = tpu.sem_alloc : memref<!tpu.dma_semaphore, #tpu.memory_space<semaphore_mem>>
      %dma_start3A_142 = arith.constant 0 : i32
      %dma_start3A_143 = tpu.memref_slice %arg8[%mul3A_2, %dma_start3A_142] : memref<10000x128xf32, #tpu.memory_space<vmem_shared>> -> memref<624x128xf32, #tpu.memory_space<vmem_shared>>
      %dma_start3A_144 = arith.constant 0 : i32
      %dma_start3A_145 = tpu.memref_slice %arg6[%mul3A_2, %dma_start3A_144] : memref<10000x128xf32, #tpu.memory_space<hbm>> -> memref<624x128xf32, #tpu.memory_space<hbm>>
      tpu.enqueue_dma source(%dma_start3A_145 : memref<624x128xf32, #tpu.memory_space<hbm>>) target(%dma_start3A_143 : memref<624x128xf32, #tpu.memory_space<vmem_shared>>) target_semaphore(%run_scoped3A : memref<!tpu.dma_semaphore, #tpu.memory_space<semaphore_mem>>)
      %dma_wait3A_146 = arith.constant 0 : i32
      %dma_wait3A_147 = tpu.memref_slice %arg8[%mul3A_2, %dma_wait3A_146] : memref<10000x128xf32, #tpu.memory_space<vmem_shared>> -> memref<624x128xf32, #tpu.memory_space<vmem_shared>>
      %dma_wait3A_148 = arith.constant 0 : i32
      %dma_wait3A_149 = tpu.memref_slice %arg6[%mul3A_2, %dma_wait3A_148] : memref<10000x128xf32, #tpu.memory_space<hbm>> -> memref<624x128xf32, #tpu.memory_space<hbm>>
      tpu.wait_dma2 semaphore(%run_scoped3A : memref<!tpu.dma_semaphore, #tpu.memory_space<semaphore_mem>>) src(%dma_wait3A_149 : memref<624x128xf32, #tpu.memory_space<hbm>>) dst(%dma_wait3A_147 : memref<624x128xf32, #tpu.memory_space<vmem_shared>>)
      tpu.yield
    }) : () -> ()
    %eq3A = arith.constant 15 : i32
    %eq3A_3 = arith.cmpi eq, %arg1, %eq3A : i32
    %convert_element_type3A = arith.extui %eq3A_3 : i1 to i32
    %cond3A = arith.constant 0 : i32
    %cond3A_4 = arith.cmpi ne, %convert_element_type3A, %cond3A : i32
    scf.if %cond3A_4 {
      "tpu.region"() ({
        %run_scoped3A = tpu.sem_alloc : memref<!tpu.dma_semaphore, #tpu.memory_space<semaphore_mem>>
        %dma_start3A_142 = arith.constant 9984 : i32
        %dma_start3A_143 = arith.constant 0 : i32
        %dma_start3A_144 = tpu.memref_slice %arg8[%dma_start3A_142, %dma_start3A_143] : memref<10000x128xf32, #tpu.memory_space<vmem_shared>> -> memref<16x128xf32, #tpu.memory_space<vmem_shared>>
        %dma_start3A_145 = arith.constant 9984 : i32
        %dma_start3A_146 = arith.constant 0 : i32
        %dma_start3A_147 = tpu.memref_slice %arg6[%dma_start3A_145, %dma_start3A_146] : memref<10000x128xf32, #tpu.memory_space<hbm>> -> memref<16x128xf32, #tpu.memory_space<hbm>>
        tpu.enqueue_dma source(%dma_start3A_147 : memref<16x128xf32, #tpu.memory_space<hbm>>) target(%dma_start3A_144 : memref<16x128xf32, #tpu.memory_space<vmem_shared>>) target_semaphore(%run_scoped3A : memref<!tpu.dma_semaphore, #tpu.memory_space<semaphore_mem>>)
        %dma_wait3A_148 = arith.constant 9984 : i32
        %dma_wait3A_149 = arith.constant 0 : i32
        %dma_wait3A_150 = tpu.memref_slice %arg8[%dma_wait3A_148, %dma_wait3A_149] : memref<10000x128xf32, #tpu.memory_space<vmem_shared>> -> memref<16x128xf32, #tpu.memory_space<vmem_shared>>
        %dma_wait3A_151 = arith.constant 9984 : i32
        %dma_wait3A_152 = arith.constant 0 : i32
        %dma_wait3A_153 = tpu.memref_slice %arg6[%dma_wait3A_151, %dma_wait3A_152] : memref<10000x128xf32, #tpu.memory_space<hbm>> -> memref<16x128xf32, #tpu.memory_space<hbm>>
        tpu.wait_dma2 semaphore(%run_scoped3A : memref<!tpu.dma_semaphore, #tpu.memory_space<semaphore_mem>>) src(%dma_wait3A_153 : memref<16x128xf32, #tpu.memory_space<hbm>>) dst(%dma_wait3A_150 : memref<16x128xf32, #tpu.memory_space<vmem_shared>>)
        tpu.yield
      }) : () -> ()
    } else {
    }
    %mul3A_5 = arith.constant 5000 : i32
    %mul3A_6 = arith.muli %add3A, %mul3A_5 : i32
    "tpu.region"() ({
      %run_scoped3A = tpu.sem_alloc : memref<!tpu.dma_semaphore, #tpu.memory_space<semaphore_mem>>
      %dma_start3A_142 = tpu.memref_slice %arg4[%mul3A_6] : memref<320000xi32, #tpu.memory_space<hbm>> -> memref<5000xi32, #tpu.memory_space<hbm>>
      %dma_start3A_143 = tpu.memref_slice %arg4[%mul3A_6] : memref<320000xi32, #tpu.memory_space<hbm>> -> memref<5000xi32, #tpu.memory_space<hbm>>
      tpu.enqueue_dma source(%dma_start3A_143 : memref<5000xi32, #tpu.memory_space<hbm>>) target(%arg9 : memref<5000xi32, #tpu.memory_space<vmem>>) target_semaphore(%run_scoped3A : memref<!tpu.dma_semaphore, #tpu.memory_space<semaphore_mem>>)
      %dma_wait3A_144 = tpu.memref_slice %arg4[%mul3A_6] : memref<320000xi32, #tpu.memory_space<hbm>> -> memref<5000xi32, #tpu.memory_space<hbm>>
      %dma_wait3A_145 = tpu.memref_slice %arg4[%mul3A_6] : memref<320000xi32, #tpu.memory_space<hbm>> -> memref<5000xi32, #tpu.memory_space<hbm>>
      tpu.wait_dma2 semaphore(%run_scoped3A : memref<!tpu.dma_semaphore, #tpu.memory_space<semaphore_mem>>) src(%dma_wait3A_145 : memref<5000xi32, #tpu.memory_space<hbm>>) dst(%arg9 : memref<5000xi32, #tpu.memory_space<vmem>>)
      tpu.yield
    }) : () -> ()
    %add3A_7 = arith.constant 160000 : i32
    %add3A_8 = arith.addi %add3A_7, %mul3A_6 : i32
    "tpu.region"() ({
      %run_scoped3A = tpu.sem_alloc : memref<!tpu.dma_semaphore, #tpu.memory_space<semaphore_mem>>
      %dma_start3A_142 = tpu.memref_slice %arg4[%add3A_8] : memref<320000xi32, #tpu.memory_space<hbm>> -> memref<5000xi32, #tpu.memory_space<hbm>>
      %dma_start3A_143 = tpu.memref_slice %arg4[%add3A_8] : memref<320000xi32, #tpu.memory_space<hbm>> -> memref<5000xi32, #tpu.memory_space<hbm>>
      tpu.enqueue_dma source(%dma_start3A_143 : memref<5000xi32, #tpu.memory_space<hbm>>) target(%arg10 : memref<5000xi32, #tpu.memory_space<vmem>>) target_semaphore(%run_scoped3A : memref<!tpu.dma_semaphore, #tpu.memory_space<semaphore_mem>>)
      %dma_wait3A_144 = tpu.memref_slice %arg4[%add3A_8] : memref<320000xi32, #tpu.memory_space<hbm>> -> memref<5000xi32, #tpu.memory_space<hbm>>
      %dma_wait3A_145 = tpu.memref_slice %arg4[%add3A_8] : memref<320000xi32, #tpu.memory_space<hbm>> -> memref<5000xi32, #tpu.memory_space<hbm>>
      tpu.wait_dma2 semaphore(%run_scoped3A : memref<!tpu.dma_semaphore, #tpu.memory_space<semaphore_mem>>) src(%dma_wait3A_145 : memref<5000xi32, #tpu.memory_space<hbm>>) dst(%arg10 : memref<5000xi32, #tpu.memory_space<vmem>>)
      tpu.yield
    }) : () -> ()
    %barrier3A = arith.constant 0 : index
    tpu.barrier barrier_id(%barrier3A)
    %add3A_9 = arith.constant 0 : i32
    %add3A_10 = arith.addi %mul3A_6, %add3A_9 : i32
    %dma_start3A = arith.constant 0 : i32
    %dma_start3A_11 = arith.constant 0 : i32
    %dma_start3A_12 = tpu.memref_slice %arg11[%dma_start3A, %dma_start3A_11] : memref<2x80xi32, #tpu.memory_space<vmem>> -> memref<1x40xi32, #tpu.memory_space<vmem>>
    %dma_start3A_13 = tpu.memref_squeeze %dma_start3A_12 : memref<1x40xi32, #tpu.memory_space<vmem>> -> memref<40xi32, #tpu.memory_space<vmem>>
    %dma_start3A_14 = tpu.memref_slice %arg5[%add3A_10] : memref<320000xi32, #tpu.memory_space<hbm>> -> memref<40xi32, #tpu.memory_space<hbm>>
    %dma_start3A_15 = arith.constant 0 : i32
    %dma_start3A_16 = tpu.memref_slice %arg11[%dma_start3A, %dma_start3A_15] : memref<2x80xi32, #tpu.memory_space<vmem>> -> memref<1x40xi32, #tpu.memory_space<vmem>>
    %dma_start3A_17 = tpu.memref_squeeze %dma_start3A_16 : memref<1x40xi32, #tpu.memory_space<vmem>> -> memref<40xi32, #tpu.memory_space<vmem>>
    %dma_start3A_18 = tpu.memref_slice %arg5[%add3A_10] : memref<320000xi32, #tpu.memory_space<hbm>> -> memref<40xi32, #tpu.memory_space<hbm>>
    tpu.enqueue_dma source(%dma_start3A_18 : memref<40xi32, #tpu.memory_space<hbm>>) target(%dma_start3A_17 : memref<40xi32, #tpu.memory_space<vmem>>) target_semaphore(%arg14 : memref<!tpu.dma_semaphore, #tpu.memory_space<semaphore_mem>>)
    %add3A_19 = arith.constant 160000 : i32
    %add3A_20 = arith.addi %add3A_19, %mul3A_6 : i32
    %add3A_21 = arith.constant 0 : i32
    %add3A_22 = arith.addi %add3A_20, %add3A_21 : i32
    %dma_start3A_23 = arith.constant 0 : i32
    %dma_start3A_24 = arith.constant 40 : i32
    %dma_start3A_25 = tpu.memref_slice %arg11[%dma_start3A_23, %dma_start3A_24] : memref<2x80xi32, #tpu.memory_space<vmem>> -> memref<1x40xi32, #tpu.memory_space<vmem>>
    %dma_start3A_26 = tpu.memref_squeeze %dma_start3A_25 : memref<1x40xi32, #tpu.memory_space<vmem>> -> memref<40xi32, #tpu.memory_space<vmem>>
    %dma_start3A_27 = tpu.memref_slice %arg5[%add3A_22] : memref<320000xi32, #tpu.memory_space<hbm>> -> memref<40xi32, #tpu.memory_space<hbm>>
    %dma_start3A_28 = arith.constant 40 : i32
    %dma_start3A_29 = tpu.memref_slice %arg11[%dma_start3A_23, %dma_start3A_28] : memref<2x80xi32, #tpu.memory_space<vmem>> -> memref<1x40xi32, #tpu.memory_space<vmem>>
    %dma_start3A_30 = tpu.memref_squeeze %dma_start3A_29 : memref<1x40xi32, #tpu.memory_space<vmem>> -> memref<40xi32, #tpu.memory_space<vmem>>
    %dma_start3A_31 = tpu.memref_slice %arg5[%add3A_22] : memref<320000xi32, #tpu.memory_space<hbm>> -> memref<40xi32, #tpu.memory_space<hbm>>
    tpu.enqueue_dma source(%dma_start3A_31 : memref<40xi32, #tpu.memory_space<hbm>>) target(%dma_start3A_30 : memref<40xi32, #tpu.memory_space<vmem>>) target_semaphore(%arg14 : memref<!tpu.dma_semaphore, #tpu.memory_space<semaphore_mem>>)
    %add3A_32 = arith.constant 40 : i32
    %add3A_33 = arith.addi %mul3A_6, %add3A_32 : i32
    %dma_start3A_34 = arith.constant 1 : i32
    %dma_start3A_35 = arith.constant 0 : i32
    %dma_start3A_36 = tpu.memref_slice %arg11[%dma_start3A_34, %dma_start3A_35] : memref<2x80xi32, #tpu.memory_space<vmem>> -> memref<1x40xi32, #tpu.memory_space<vmem>>
    %dma_start3A_37 = tpu.memref_squeeze %dma_start3A_36 : memref<1x40xi32, #tpu.memory_space<vmem>> -> memref<40xi32, #tpu.memory_space<vmem>>
    %dma_start3A_38 = tpu.memref_slice %arg5[%add3A_33] : memref<320000xi32, #tpu.memory_space<hbm>> -> memref<40xi32, #tpu.memory_space<hbm>>
    %dma_start3A_39 = arith.constant 0 : i32
    %dma_start3A_40 = tpu.memref_slice %arg11[%dma_start3A_34, %dma_start3A_39] : memref<2x80xi32, #tpu.memory_space<vmem>> -> memref<1x40xi32, #tpu.memory_space<vmem>>
    %dma_start3A_41 = tpu.memref_squeeze %dma_start3A_40 : memref<1x40xi32, #tpu.memory_space<vmem>> -> memref<40xi32, #tpu.memory_space<vmem>>
    %dma_start3A_42 = tpu.memref_slice %arg5[%add3A_33] : memref<320000xi32, #tpu.memory_space<hbm>> -> memref<40xi32, #tpu.memory_space<hbm>>
    tpu.enqueue_dma source(%dma_start3A_42 : memref<40xi32, #tpu.memory_space<hbm>>) target(%dma_start3A_41 : memref<40xi32, #tpu.memory_space<vmem>>) target_semaphore(%arg14 : memref<!tpu.dma_semaphore, #tpu.memory_space<semaphore_mem>>)
    %add3A_43 = arith.constant 160000 : i32
    %add3A_44 = arith.addi %add3A_43, %mul3A_6 : i32
    %add3A_45 = arith.constant 40 : i32
    %add3A_46 = arith.addi %add3A_44, %add3A_45 : i32
    %dma_start3A_47 = arith.constant 1 : i32
    %dma_start3A_48 = arith.constant 40 : i32
    %dma_start3A_49 = tpu.memref_slice %arg11[%dma_start3A_47, %dma_start3A_48] : memref<2x80xi32, #tpu.memory_space<vmem>> -> memref<1x40xi32, #tpu.memory_space<vmem>>
    %dma_start3A_50 = tpu.memref_squeeze %dma_start3A_49 : memref<1x40xi32, #tpu.memory_space<vmem>> -> memref<40xi32, #tpu.memory_space<vmem>>
    %dma_start3A_51 = tpu.memref_slice %arg5[%add3A_46] : memref<320000xi32, #tpu.memory_space<hbm>> -> memref<40xi32, #tpu.memory_space<hbm>>
    %dma_start3A_52 = arith.constant 40 : i32
    %dma_start3A_53 = tpu.memref_slice %arg11[%dma_start3A_47, %dma_start3A_52] : memref<2x80xi32, #tpu.memory_space<vmem>> -> memref<1x40xi32, #tpu.memory_space<vmem>>
    %dma_start3A_54 = tpu.memref_squeeze %dma_start3A_53 : memref<1x40xi32, #tpu.memory_space<vmem>> -> memref<40xi32, #tpu.memory_space<vmem>>
    %dma_start3A_55 = tpu.memref_slice %arg5[%add3A_46] : memref<320000xi32, #tpu.memory_space<hbm>> -> memref<40xi32, #tpu.memory_space<hbm>>
    tpu.enqueue_dma source(%dma_start3A_55 : memref<40xi32, #tpu.memory_space<hbm>>) target(%dma_start3A_54 : memref<40xi32, #tpu.memory_space<vmem>>) target_semaphore(%arg14 : memref<!tpu.dma_semaphore, #tpu.memory_space<semaphore_mem>>)
    %dma_wait3A = arith.constant 0 : i32
    %dma_wait3A_56 = arith.constant 0 : i32
    %dma_wait3A_57 = tpu.memref_slice %arg11[%dma_wait3A, %dma_wait3A_56] : memref<2x80xi32, #tpu.memory_space<vmem>> -> memref<1x80xi32, #tpu.memory_space<vmem>>
    %dma_wait3A_58 = tpu.memref_squeeze %dma_wait3A_57 : memref<1x80xi32, #tpu.memory_space<vmem>> -> memref<80xi32, #tpu.memory_space<vmem>>
    %dma_wait3A_59 = arith.constant 0 : i32
    %dma_wait3A_60 = tpu.memref_slice %arg5[%dma_wait3A_59] : memref<320000xi32, #tpu.memory_space<hbm>> -> memref<80xi32, #tpu.memory_space<hbm>>
    %dma_wait3A_61 = arith.constant 0 : i32
    %dma_wait3A_62 = tpu.memref_slice %arg11[%dma_wait3A, %dma_wait3A_61] : memref<2x80xi32, #tpu.memory_space<vmem>> -> memref<1x80xi32, #tpu.memory_space<vmem>>
    %dma_wait3A_63 = tpu.memref_squeeze %dma_wait3A_62 : memref<1x80xi32, #tpu.memory_space<vmem>> -> memref<80xi32, #tpu.memory_space<vmem>>
    %dma_wait3A_64 = arith.constant 0 : i32
    %dma_wait3A_65 = tpu.memref_slice %arg5[%dma_wait3A_64] : memref<320000xi32, #tpu.memory_space<hbm>> -> memref<80xi32, #tpu.memory_space<hbm>>
    tpu.wait_dma2 semaphore(%arg14 : memref<!tpu.dma_semaphore, #tpu.memory_space<semaphore_mem>>) src(%dma_wait3A_65 : memref<80xi32, #tpu.memory_space<hbm>>) dst(%dma_wait3A_63 : memref<80xi32, #tpu.memory_space<vmem>>)
    %dma_wait3A_66 = arith.constant 0 : i32
    %dma_wait3A_67 = arith.constant 0 : i32
    %dma_wait3A_68 = tpu.memref_slice %arg11[%dma_wait3A_66, %dma_wait3A_67] : memref<2x80xi32, #tpu.memory_space<vmem>> -> memref<1x80xi32, #tpu.memory_space<vmem>>
    %dma_wait3A_69 = tpu.memref_squeeze %dma_wait3A_68 : memref<1x80xi32, #tpu.memory_space<vmem>> -> memref<80xi32, #tpu.memory_space<vmem>>
    %dma_wait3A_70 = arith.constant 0 : i32
    %dma_wait3A_71 = tpu.memref_slice %arg5[%dma_wait3A_70] : memref<320000xi32, #tpu.memory_space<hbm>> -> memref<80xi32, #tpu.memory_space<hbm>>
    %dma_wait3A_72 = arith.constant 0 : i32
    %dma_wait3A_73 = tpu.memref_slice %arg11[%dma_wait3A_66, %dma_wait3A_72] : memref<2x80xi32, #tpu.memory_space<vmem>> -> memref<1x80xi32, #tpu.memory_space<vmem>>
    %dma_wait3A_74 = tpu.memref_squeeze %dma_wait3A_73 : memref<1x80xi32, #tpu.memory_space<vmem>> -> memref<80xi32, #tpu.memory_space<vmem>>
    %dma_wait3A_75 = arith.constant 0 : i32
    %dma_wait3A_76 = tpu.memref_slice %arg5[%dma_wait3A_75] : memref<320000xi32, #tpu.memory_space<hbm>> -> memref<80xi32, #tpu.memory_space<hbm>>
    tpu.wait_dma2 semaphore(%arg14 : memref<!tpu.dma_semaphore, #tpu.memory_space<semaphore_mem>>) src(%dma_wait3A_76 : memref<80xi32, #tpu.memory_space<hbm>>) dst(%dma_wait3A_74 : memref<80xi32, #tpu.memory_space<vmem>>)
    %mul3A_77 = arith.constant 125 : i32
    %mul3A_78 = arith.muli %add3A, %mul3A_77 : i32
    %add3A_79 = arith.constant 0 : i32
    %add3A_80 = arith.addi %mul3A_78, %add3A_79 : i32
    %dma_start3A_81 = arith.constant 0 : i32
    %dma_start3A_82 = arith.constant 0 : i32
    %dma_start3A_83 = arith.constant 0 : i32
    %dma_start3A_84 = tpu.memref_slice %arg12[%dma_start3A_81, %dma_start3A_82, %dma_start3A_83] : memref<2x40x128xi32, #tpu.memory_space<vmem>> -> memref<1x40x128xi32, #tpu.memory_space<vmem>>
    %dma_start3A_85 = tpu.memref_squeeze %dma_start3A_84 : memref<1x40x128xi32, #tpu.memory_space<vmem>> -> memref<40x128xi32, #tpu.memory_space<vmem>>
    %dma_start3A_86 = arith.constant 0 : i32
    %dma_start3A_87 = arith.constant 0 : i32
    %dma_start3A_88 = tpu.memref_slice %arg3[%add3A_80, %dma_start3A_86, %dma_start3A_87] : memref<4000x40x128xi32, #tpu.memory_space<hbm>> -> memref<1x40x128xi32, #tpu.memory_space<hbm>>
    %dma_start3A_89 = tpu.memref_squeeze %dma_start3A_88 : memref<1x40x128xi32, #tpu.memory_space<hbm>> -> memref<40x128xi32, #tpu.memory_space<hbm>>
    %dma_start3A_90 = arith.constant 0 : i32
    %dma_start3A_91 = arith.constant 0 : i32
    %dma_start3A_92 = tpu.memref_slice %arg12[%dma_start3A_81, %dma_start3A_90, %dma_start3A_91] : memref<2x40x128xi32, #tpu.memory_space<vmem>> -> memref<1x40x128xi32, #tpu.memory_space<vmem>>
    %dma_start3A_93 = tpu.memref_squeeze %dma_start3A_92 : memref<1x40x128xi32, #tpu.memory_space<vmem>> -> memref<40x128xi32, #tpu.memory_space<vmem>>
    %dma_start3A_94 = arith.constant 0 : i32
    %dma_start3A_95 = arith.constant 0 : i32
    %dma_start3A_96 = tpu.memref_slice %arg3[%add3A_80, %dma_start3A_94, %dma_start3A_95] : memref<4000x40x128xi32, #tpu.memory_space<hbm>> -> memref<1x40x128xi32, #tpu.memory_space<hbm>>
    %dma_start3A_97 = tpu.memref_squeeze %dma_start3A_96 : memref<1x40x128xi32, #tpu.memory_space<hbm>> -> memref<40x128xi32, #tpu.memory_space<hbm>>
    tpu.enqueue_dma source(%dma_start3A_97 : memref<40x128xi32, #tpu.memory_space<hbm>>) target(%dma_start3A_93 : memref<40x128xi32, #tpu.memory_space<vmem>>) target_semaphore(%arg15 : memref<!tpu.dma_semaphore, #tpu.memory_space<semaphore_mem>>)
    %dma_start3A_98 = arith.constant 0 : i32
    %dma_start3A_99 = arith.constant 0 : i32
    %dma_start3A_100 = arith.constant 0 : i32
    %dma_start3A_101 = tpu.memref_slice %arg13[%dma_start3A_98, %dma_start3A_99, %dma_start3A_100] : memref<2x80x128xf32, #tpu.memory_space<vmem>> -> memref<1x40x128xf32, #tpu.memory_space<vmem>>
    %dma_start3A_102 = tpu.memref_squeeze %dma_start3A_101 : memref<1x40x128xf32, #tpu.memory_space<vmem>> -> memref<40x128xf32, #tpu.memory_space<vmem>>
    %dma_start3A_103 = arith.constant 0 : i32
    %dma_start3A_104 = tpu.memref_slice %arg9[%dma_start3A_103] : memref<5000xi32, #tpu.memory_space<vmem>> -> memref<40xi32, #tpu.memory_space<vmem>>
    %dma_start3A_105 = arith.constant 0 : i32
    %dma_start3A_106 = arith.constant 0 : i32
    %dma_start3A_107 = tpu.memref_slice %arg2[%dma_start3A_105, %dma_start3A_106] : memref<10000x128xf32, #tpu.memory_space<hbm>> -> memref<10000x128xf32, #tpu.memory_space<hbm>>
    tpu.enqueue_indirect_dma source(%dma_start3A_107 : memref<10000x128xf32, #tpu.memory_space<hbm>>) target(%dma_start3A_102 : memref<40x128xf32, #tpu.memory_space<vmem>>) offsets(%dma_start3A_104 : memref<40xi32, #tpu.memory_space<vmem>>) semaphore(%arg16 : memref<!tpu.dma_semaphore, #tpu.memory_space<semaphore_mem>>)
    %dma_start3A_108 = arith.constant 0 : i32
    %dma_start3A_109 = arith.constant 40 : i32
    %dma_start3A_110 = arith.constant 0 : i32
    %dma_start3A_111 = tpu.memref_slice %arg13[%dma_start3A_108, %dma_start3A_109, %dma_start3A_110] : memref<2x80x128xf32, #tpu.memory_space<vmem>> -> memref<1x40x128xf32, #tpu.memory_space<vmem>>
    %dma_start3A_112 = tpu.memref_squeeze %dma_start3A_111 : memref<1x40x128xf32, #tpu.memory_space<vmem>> -> memref<40x128xf32, #tpu.memory_space<vmem>>
    %dma_start3A_113 = arith.constant 0 : i32
    %dma_start3A_114 = tpu.memref_slice %arg10[%dma_start3A_113] : memref<5000xi32, #tpu.memory_space<vmem>> -> memref<40xi32, #tpu.memory_space<vmem>>
    %dma_start3A_115 = arith.constant 0 : i32
    %dma_start3A_116 = arith.constant 0 : i32
    %dma_start3A_117 = tpu.memref_slice %arg2[%dma_start3A_115, %dma_start3A_116] : memref<10000x128xf32, #tpu.memory_space<hbm>> -> memref<10000x128xf32, #tpu.memory_space<hbm>>
    tpu.enqueue_indirect_dma source(%dma_start3A_117 : memref<10000x128xf32, #tpu.memory_space<hbm>>) target(%dma_start3A_112 : memref<40x128xf32, #tpu.memory_space<vmem>>) offsets(%dma_start3A_114 : memref<40xi32, #tpu.memory_space<vmem>>) semaphore(%arg16 : memref<!tpu.dma_semaphore, #tpu.memory_space<semaphore_mem>>)
    %scan3A = arith.constant 0 : i32
    %scan3A_118 = arith.constant -65536 : i32
    %scan3A_119 = arith.constant 0 : i32
    %scan3A_120 = arith.constant 125 : i32
    %scan3A_121 = arith.addi %scan3A_119, %scan3A_120 : i32
    %scan3A_122 = arith.constant 1 : i32
    scf.for %scan3A_142 = %scan3A_119 to %scan3A_121 step %scan3A_122  : i32 {
      %rem3A = arith.constant 2 : i32
      %rem3A_143 = arith.remsi %scan3A_142, %rem3A : i32
      %ge3A = arith.constant 1 : i32
      %ge3A_144 = arith.cmpi sge, %scan3A_142, %ge3A : i32
      %convert_element_type3A_145 = arith.extui %ge3A_144 : i1 to i32
      %cond3A_146 = arith.constant 0 : i32
      %cond3A_147 = arith.cmpi ne, %convert_element_type3A_145, %cond3A_146 : i32
      scf.if %cond3A_147 {
        %dma_wait3A_215 = arith.constant 0 : i32
        %dma_wait3A_216 = arith.constant 0 : i32
        %dma_wait3A_217 = arith.constant 0 : i32
        %dma_wait3A_218 = arith.constant 0 : i32
        %dma_wait3A_219 = tpu.memref_slice %arg13[%dma_wait3A_215, %dma_wait3A_217, %dma_wait3A_218] : memref<2x80x128xf32, #tpu.memory_space<vmem>> -> memref<1x80x128xf32, #tpu.memory_space<vmem>>
        %dma_wait3A_220 = tpu.memref_squeeze %dma_wait3A_219 : memref<1x80x128xf32, #tpu.memory_space<vmem>> -> memref<80x128xf32, #tpu.memory_space<vmem>>
        %dma_wait3A_221 = arith.constant 0 : i32
        %dma_wait3A_222 = tpu.memref_slice %arg11[%dma_wait3A_216, %dma_wait3A_221] : memref<2x80xi32, #tpu.memory_space<vmem>> -> memref<1x80xi32, #tpu.memory_space<vmem>>
        %dma_wait3A_223 = tpu.memref_squeeze %dma_wait3A_222 : memref<1x80xi32, #tpu.memory_space<vmem>> -> memref<80xi32, #tpu.memory_space<vmem>>
        %dma_wait3A_224 = arith.constant 0 : i32
        %dma_wait3A_225 = arith.constant 0 : i32
        %dma_wait3A_226 = tpu.memref_slice %arg8[%dma_wait3A_224, %dma_wait3A_225] : memref<10000x128xf32, #tpu.memory_space<vmem_shared>> -> memref<10000x128xf32, #tpu.memory_space<vmem_shared>>
        tpu.wait_indirect_dma semaphore(%arg17 : memref<!tpu.dma_semaphore, #tpu.memory_space<semaphore_mem>>) src(%dma_wait3A_220 : memref<80x128xf32, #tpu.memory_space<vmem>>) dst(%dma_wait3A_226 : memref<10000x128xf32, #tpu.memory_space<vmem_shared>>)
      } else {
      }
      %ge3A_148 = arith.constant 1 : i32
      %ge3A_149 = arith.cmpi sge, %scan3A_142, %ge3A_148 : i32
      %add3A_150 = arith.constant 1 : i32
      %add3A_151 = arith.addi %scan3A_142, %add3A_150 : i32
      %lt3A = arith.constant 125 : i32
      %lt3A_152 = arith.cmpi slt, %add3A_151, %lt3A : i32
      %and3A = arith.andi %ge3A_149, %lt3A_152 : i1
      %convert_element_type3A_153 = arith.extui %and3A : i1 to i32
      %cond3A_154 = arith.constant 0 : i32
      %cond3A_155 = arith.cmpi ne, %convert_element_type3A_153, %cond3A_154 : i32
      scf.if %cond3A_155 {
        %add3A_215 = arith.constant 1 : i32
        %add3A_216 = arith.addi %scan3A_142, %add3A_215 : i32
        %sub3A = arith.constant 1 : i32
        %sub3A_217 = arith.subi %sub3A, %rem3A_143 : i32
        %mul3A_218 = arith.constant 40 : i32
        %mul3A_219 = arith.muli %add3A_216, %mul3A_218 : i32
        %add3A_220 = arith.addi %mul3A_6, %mul3A_219 : i32
        %dma_start3A_221 = arith.constant 0 : i32
        %dma_start3A_222 = tpu.memref_slice %arg11[%sub3A_217, %dma_start3A_221] : memref<2x80xi32, #tpu.memory_space<vmem>> -> memref<1x40xi32, #tpu.memory_space<vmem>>
        %dma_start3A_223 = tpu.memref_squeeze %dma_start3A_222 : memref<1x40xi32, #tpu.memory_space<vmem>> -> memref<40xi32, #tpu.memory_space<vmem>>
        %dma_start3A_224 = tpu.memref_slice %arg5[%add3A_220] : memref<320000xi32, #tpu.memory_space<hbm>> -> memref<40xi32, #tpu.memory_space<hbm>>
        %dma_start3A_225 = arith.constant 0 : i32
        %dma_start3A_226 = tpu.memref_slice %arg11[%sub3A_217, %dma_start3A_225] : memref<2x80xi32, #tpu.memory_space<vmem>> -> memref<1x40xi32, #tpu.memory_space<vmem>>
        %dma_start3A_227 = tpu.memref_squeeze %dma_start3A_226 : memref<1x40xi32, #tpu.memory_space<vmem>> -> memref<40xi32, #tpu.memory_space<vmem>>
        %dma_start3A_228 = tpu.memref_slice %arg5[%add3A_220] : memref<320000xi32, #tpu.memory_space<hbm>> -> memref<40xi32, #tpu.memory_space<hbm>>
        tpu.enqueue_dma source(%dma_start3A_228 : memref<40xi32, #tpu.memory_space<hbm>>) target(%dma_start3A_227 : memref<40xi32, #tpu.memory_space<vmem>>) target_semaphore(%arg14 : memref<!tpu.dma_semaphore, #tpu.memory_space<semaphore_mem>>)
        %add3A_229 = arith.constant 160000 : i32
        %add3A_230 = arith.addi %add3A_229, %mul3A_6 : i32
        %mul3A_231 = arith.constant 40 : i32
        %mul3A_232 = arith.muli %add3A_216, %mul3A_231 : i32
        %add3A_233 = arith.addi %add3A_230, %mul3A_232 : i32
        %dma_start3A_234 = arith.constant 40 : i32
        %dma_start3A_235 = tpu.memref_slice %arg11[%sub3A_217, %dma_start3A_234] : memref<2x80xi32, #tpu.memory_space<vmem>> -> memref<1x40xi32, #tpu.memory_space<vmem>>
        %dma_start3A_236 = tpu.memref_squeeze %dma_start3A_235 : memref<1x40xi32, #tpu.memory_space<vmem>> -> memref<40xi32, #tpu.memory_space<vmem>>
        %dma_start3A_237 = tpu.memref_slice %arg5[%add3A_233] : memref<320000xi32, #tpu.memory_space<hbm>> -> memref<40xi32, #tpu.memory_space<hbm>>
        %dma_start3A_238 = arith.constant 40 : i32
        %dma_start3A_239 = tpu.memref_slice %arg11[%sub3A_217, %dma_start3A_238] : memref<2x80xi32, #tpu.memory_space<vmem>> -> memref<1x40xi32, #tpu.memory_space<vmem>>
        %dma_start3A_240 = tpu.memref_squeeze %dma_start3A_239 : memref<1x40xi32, #tpu.memory_space<vmem>> -> memref<40xi32, #tpu.memory_space<vmem>>
        %dma_start3A_241 = tpu.memref_slice %arg5[%add3A_233] : memref<320000xi32, #tpu.memory_space<hbm>> -> memref<40xi32, #tpu.memory_space<hbm>>
        tpu.enqueue_dma source(%dma_start3A_241 : memref<40xi32, #tpu.memory_space<hbm>>) target(%dma_start3A_240 : memref<40xi32, #tpu.memory_space<vmem>>) target_semaphore(%arg14 : memref<!tpu.dma_semaphore, #tpu.memory_space<semaphore_mem>>)
      } else {
      }
      %add3A_156 = arith.constant 1 : i32
      %add3A_157 = arith.addi %scan3A_142, %add3A_156 : i32
      %lt3A_158 = arith.constant 125 : i32
      %lt3A_159 = arith.cmpi slt, %add3A_157, %lt3A_158 : i32
      %convert_element_type3A_160 = arith.extui %lt3A_159 : i1 to i32
      %cond3A_161 = arith.constant 0 : i32
      %cond3A_162 = arith.cmpi ne, %convert_element_type3A_160, %cond3A_161 : i32
      scf.if %cond3A_162 {
        %add3A_215 = arith.constant 1 : i32
        %add3A_216 = arith.addi %scan3A_142, %add3A_215 : i32
        %sub3A = arith.constant 1 : i32
        %sub3A_217 = arith.subi %sub3A, %rem3A_143 : i32
        %mul3A_218 = arith.constant 125 : i32
        %mul3A_219 = arith.muli %add3A, %mul3A_218 : i32
        %add3A_220 = arith.addi %mul3A_219, %add3A_216 : i32
        %dma_start3A_221 = arith.constant 0 : i32
        %dma_start3A_222 = arith.constant 0 : i32
        %dma_start3A_223 = tpu.memref_slice %arg12[%sub3A_217, %dma_start3A_221, %dma_start3A_222] : memref<2x40x128xi32, #tpu.memory_space<vmem>> -> memref<1x40x128xi32, #tpu.memory_space<vmem>>
        %dma_start3A_224 = tpu.memref_squeeze %dma_start3A_223 : memref<1x40x128xi32, #tpu.memory_space<vmem>> -> memref<40x128xi32, #tpu.memory_space<vmem>>
        %dma_start3A_225 = arith.constant 0 : i32
        %dma_start3A_226 = arith.constant 0 : i32
        %dma_start3A_227 = tpu.memref_slice %arg3[%add3A_220, %dma_start3A_225, %dma_start3A_226] : memref<4000x40x128xi32, #tpu.memory_space<hbm>> -> memref<1x40x128xi32, #tpu.memory_space<hbm>>
        %dma_start3A_228 = tpu.memref_squeeze %dma_start3A_227 : memref<1x40x128xi32, #tpu.memory_space<hbm>> -> memref<40x128xi32, #tpu.memory_space<hbm>>
        %dma_start3A_229 = arith.constant 0 : i32
        %dma_start3A_230 = arith.constant 0 : i32
        %dma_start3A_231 = tpu.memref_slice %arg12[%sub3A_217, %dma_start3A_229, %dma_start3A_230] : memref<2x40x128xi32, #tpu.memory_space<vmem>> -> memref<1x40x128xi32, #tpu.memory_space<vmem>>
        %dma_start3A_232 = tpu.memref_squeeze %dma_start3A_231 : memref<1x40x128xi32, #tpu.memory_space<vmem>> -> memref<40x128xi32, #tpu.memory_space<vmem>>
        %dma_start3A_233 = arith.constant 0 : i32
        %dma_start3A_234 = arith.constant 0 : i32
        %dma_start3A_235 = tpu.memref_slice %arg3[%add3A_220, %dma_start3A_233, %dma_start3A_234] : memref<4000x40x128xi32, #tpu.memory_space<hbm>> -> memref<1x40x128xi32, #tpu.memory_space<hbm>>
        %dma_start3A_236 = tpu.memref_squeeze %dma_start3A_235 : memref<1x40x128xi32, #tpu.memory_space<hbm>> -> memref<40x128xi32, #tpu.memory_space<hbm>>
        tpu.enqueue_dma source(%dma_start3A_236 : memref<40x128xi32, #tpu.memory_space<hbm>>) target(%dma_start3A_232 : memref<40x128xi32, #tpu.memory_space<vmem>>) target_semaphore(%arg15 : memref<!tpu.dma_semaphore, #tpu.memory_space<semaphore_mem>>)
        %mul3A_237 = arith.constant 40 : i32
        %mul3A_238 = arith.muli %add3A_216, %mul3A_237 : i32
        %dma_start3A_239 = arith.constant 0 : i32
        %dma_start3A_240 = arith.constant 0 : i32
        %dma_start3A_241 = tpu.memref_slice %arg13[%sub3A_217, %dma_start3A_239, %dma_start3A_240] : memref<2x80x128xf32, #tpu.memory_space<vmem>> -> memref<1x40x128xf32, #tpu.memory_space<vmem>>
        %dma_start3A_242 = tpu.memref_squeeze %dma_start3A_241 : memref<1x40x128xf32, #tpu.memory_space<vmem>> -> memref<40x128xf32, #tpu.memory_space<vmem>>
        %dma_start3A_243 = tpu.memref_slice %arg9[%mul3A_238] : memref<5000xi32, #tpu.memory_space<vmem>> -> memref<40xi32, #tpu.memory_space<vmem>>
        %dma_start3A_244 = arith.constant 0 : i32
        %dma_start3A_245 = arith.constant 0 : i32
        %dma_start3A_246 = tpu.memref_slice %arg2[%dma_start3A_244, %dma_start3A_245] : memref<10000x128xf32, #tpu.memory_space<hbm>> -> memref<10000x128xf32, #tpu.memory_space<hbm>>
        tpu.enqueue_indirect_dma source(%dma_start3A_246 : memref<10000x128xf32, #tpu.memory_space<hbm>>) target(%dma_start3A_242 : memref<40x128xf32, #tpu.memory_space<vmem>>) offsets(%dma_start3A_243 : memref<40xi32, #tpu.memory_space<vmem>>) semaphore(%arg16 : memref<!tpu.dma_semaphore, #tpu.memory_space<semaphore_mem>>)
        %mul3A_247 = arith.constant 40 : i32
        %mul3A_248 = arith.muli %add3A_216, %mul3A_247 : i32
        %dma_start3A_249 = arith.constant 40 : i32
        %dma_start3A_250 = arith.constant 0 : i32
        %dma_start3A_251 = tpu.memref_slice %arg13[%sub3A_217, %dma_start3A_249, %dma_start3A_250] : memref<2x80x128xf32, #tpu.memory_space<vmem>> -> memref<1x40x128xf32, #tpu.memory_space<vmem>>
        %dma_start3A_252 = tpu.memref_squeeze %dma_start3A_251 : memref<1x40x128xf32, #tpu.memory_space<vmem>> -> memref<40x128xf32, #tpu.memory_space<vmem>>
        %dma_start3A_253 = tpu.memref_slice %arg10[%mul3A_248] : memref<5000xi32, #tpu.memory_space<vmem>> -> memref<40xi32, #tpu.memory_space<vmem>>
        %dma_start3A_254 = arith.constant 0 : i32
        %dma_start3A_255 = arith.constant 0 : i32
        %dma_start3A_256 = tpu.memref_slice %arg2[%dma_start3A_254, %dma_start3A_255] : memref<10000x128xf32, #tpu.memory_space<hbm>> -> memref<10000x128xf32, #tpu.memory_space<hbm>>
        tpu.enqueue_indirect_dma source(%dma_start3A_256 : memref<10000x128xf32, #tpu.memory_space<hbm>>) target(%dma_start3A_252 : memref<40x128xf32, #tpu.memory_space<vmem>>) offsets(%dma_start3A_253 : memref<40xi32, #tpu.memory_space<vmem>>) semaphore(%arg16 : memref<!tpu.dma_semaphore, #tpu.memory_space<semaphore_mem>>)
      } else {
      }
      %dma_wait3A_163 = arith.constant 0 : i32
      %dma_wait3A_164 = arith.constant 0 : i32
      %dma_wait3A_165 = arith.constant 0 : i32
      %dma_wait3A_166 = tpu.memref_slice %arg12[%rem3A_143, %dma_wait3A_164, %dma_wait3A_165] : memref<2x40x128xi32, #tpu.memory_space<vmem>> -> memref<1x40x128xi32, #tpu.memory_space<vmem>>
      %dma_wait3A_167 = tpu.memref_squeeze %dma_wait3A_166 : memref<1x40x128xi32, #tpu.memory_space<vmem>> -> memref<40x128xi32, #tpu.memory_space<vmem>>
      %dma_wait3A_168 = arith.constant 0 : i32
      %dma_wait3A_169 = arith.constant 0 : i32
      %dma_wait3A_170 = tpu.memref_slice %arg3[%dma_wait3A_163, %dma_wait3A_168, %dma_wait3A_169] : memref<4000x40x128xi32, #tpu.memory_space<hbm>> -> memref<1x40x128xi32, #tpu.memory_space<hbm>>
      %dma_wait3A_171 = tpu.memref_squeeze %dma_wait3A_170 : memref<1x40x128xi32, #tpu.memory_space<hbm>> -> memref<40x128xi32, #tpu.memory_space<hbm>>
      %dma_wait3A_172 = arith.constant 0 : i32
      %dma_wait3A_173 = arith.constant 0 : i32
      %dma_wait3A_174 = tpu.memref_slice %arg12[%rem3A_143, %dma_wait3A_172, %dma_wait3A_173] : memref<2x40x128xi32, #tpu.memory_space<vmem>> -> memref<1x40x128xi32, #tpu.memory_space<vmem>>
      %dma_wait3A_175 = tpu.memref_squeeze %dma_wait3A_174 : memref<1x40x128xi32, #tpu.memory_space<vmem>> -> memref<40x128xi32, #tpu.memory_space<vmem>>
      %dma_wait3A_176 = arith.constant 0 : i32
      %dma_wait3A_177 = arith.constant 0 : i32
      %dma_wait3A_178 = tpu.memref_slice %arg3[%dma_wait3A_163, %dma_wait3A_176, %dma_wait3A_177] : memref<4000x40x128xi32, #tpu.memory_space<hbm>> -> memref<1x40x128xi32, #tpu.memory_space<hbm>>
      %dma_wait3A_179 = tpu.memref_squeeze %dma_wait3A_178 : memref<1x40x128xi32, #tpu.memory_space<hbm>> -> memref<40x128xi32, #tpu.memory_space<hbm>>
      tpu.wait_dma2 semaphore(%arg15 : memref<!tpu.dma_semaphore, #tpu.memory_space<semaphore_mem>>) src(%dma_wait3A_179 : memref<40x128xi32, #tpu.memory_space<hbm>>) dst(%dma_wait3A_175 : memref<40x128xi32, #tpu.memory_space<vmem>>)
      %dma_wait3A_180 = arith.constant 0 : i32
      %dma_wait3A_181 = arith.constant 0 : i32
      %dma_wait3A_182 = tpu.memref_slice %arg13[%rem3A_143, %dma_wait3A_180, %dma_wait3A_181] : memref<2x80x128xf32, #tpu.memory_space<vmem>> -> memref<1x40x128xf32, #tpu.memory_space<vmem>>
      %dma_wait3A_183 = tpu.memref_squeeze %dma_wait3A_182 : memref<1x40x128xf32, #tpu.memory_space<vmem>> -> memref<40x128xf32, #tpu.memory_space<vmem>>
      %dma_wait3A_184 = arith.constant 0 : i32
      %dma_wait3A_185 = tpu.memref_slice %arg9[%dma_wait3A_184] : memref<5000xi32, #tpu.memory_space<vmem>> -> memref<40xi32, #tpu.memory_space<vmem>>
      %dma_wait3A_186 = arith.constant 0 : i32
      %dma_wait3A_187 = arith.constant 0 : i32
      %dma_wait3A_188 = tpu.memref_slice %arg2[%dma_wait3A_186, %dma_wait3A_187] : memref<10000x128xf32, #tpu.memory_space<hbm>> -> memref<10000x128xf32, #tpu.memory_space<hbm>>
      tpu.wait_indirect_dma semaphore(%arg16 : memref<!tpu.dma_semaphore, #tpu.memory_space<semaphore_mem>>) src(%dma_wait3A_188 : memref<10000x128xf32, #tpu.memory_space<hbm>>) dst(%dma_wait3A_183 : memref<40x128xf32, #tpu.memory_space<vmem>>)
      %dma_wait3A_189 = arith.constant 40 : i32
      %dma_wait3A_190 = arith.constant 0 : i32
      %dma_wait3A_191 = tpu.memref_slice %arg13[%rem3A_143, %dma_wait3A_189, %dma_wait3A_190] : memref<2x80x128xf32, #tpu.memory_space<vmem>> -> memref<1x40x128xf32, #tpu.memory_space<vmem>>
      %dma_wait3A_192 = tpu.memref_squeeze %dma_wait3A_191 : memref<1x40x128xf32, #tpu.memory_space<vmem>> -> memref<40x128xf32, #tpu.memory_space<vmem>>
      %dma_wait3A_193 = arith.constant 0 : i32
      %dma_wait3A_194 = tpu.memref_slice %arg10[%dma_wait3A_193] : memref<5000xi32, #tpu.memory_space<vmem>> -> memref<40xi32, #tpu.memory_space<vmem>>
      %dma_wait3A_195 = arith.constant 0 : i32
      %dma_wait3A_196 = arith.constant 0 : i32
      %dma_wait3A_197 = tpu.memref_slice %arg2[%dma_wait3A_195, %dma_wait3A_196] : memref<10000x128xf32, #tpu.memory_space<hbm>> -> memref<10000x128xf32, #tpu.memory_space<hbm>>
      tpu.wait_indirect_dma semaphore(%arg16 : memref<!tpu.dma_semaphore, #tpu.memory_space<semaphore_mem>>) src(%dma_wait3A_197 : memref<10000x128xf32, #tpu.memory_space<hbm>>) dst(%dma_wait3A_192 : memref<40x128xf32, #tpu.memory_space<vmem>>)
      %parallel_loop3A = arith.constant 0 : i32
      %parallel_loop3A_198 = arith.constant 40 : i32
      %parallel_loop3A_199 = arith.constant 1 : i32
      scf.for %parallel_loop3A_215 = %parallel_loop3A to %parallel_loop3A_198 step %parallel_loop3A_199  : i32 {
        %parallel_loop3A_216 = arith.constant 0 : i32
        %parallel_loop3A_217 = arith.constant 0 : i32
        %parallel_loop3A_218 = tpu.memref_slice %arg12[%rem3A_143, %parallel_loop3A_216, %parallel_loop3A_217] : memref<2x40x128xi32, #tpu.memory_space<vmem>> -> memref<1x40x128xi32, #tpu.memory_space<vmem>>
        %parallel_loop3A_219 = tpu.memref_squeeze %parallel_loop3A_218 : memref<1x40x128xi32, #tpu.memory_space<vmem>> -> memref<40x128xi32, #tpu.memory_space<vmem>>
        %parallel_loop3A_220 = arith.index_cast %parallel_loop3A_215 : i32 to index
        %parallel_loop3A_221 = arith.constant 0 : index
        %parallel_loop3A_222 = tpu.vector_load %parallel_loop3A_219[%parallel_loop3A_220, %parallel_loop3A_221] {strides = array<i32>} : memref<40x128xi32, #tpu.memory_space<vmem>>, vector<1x16xi32>,
        %parallel_loop3A_223 = vector.shape_cast %parallel_loop3A_222 : vector<1x16xi32> to vector<16xi32>
        %parallel_loop3A_224 = arith.constant 16 : i32
        %parallel_loop3A_225 = vector.broadcast %parallel_loop3A_224 : i32 to vector<16xi32>
        %parallel_loop3A_226 = arith.shli %parallel_loop3A_223, %parallel_loop3A_225 : vector<16xi32>
        %parallel_loop3A_227 = tpu.bitcast %parallel_loop3A_226 : vector<16xi32> -> vector<16xf32>
        %parallel_loop3A_228 = vector.broadcast %scan3A_118 : i32 to vector<16xi32>
        %parallel_loop3A_229 = arith.andi %parallel_loop3A_223, %parallel_loop3A_228 : vector<16xi32>
        %parallel_loop3A_230 = tpu.bitcast %parallel_loop3A_229 : vector<16xi32> -> vector<16xf32>
        %parallel_loop3A_231 = arith.constant 0 : i32
        %parallel_loop3A_232 = arith.constant 0 : i32
        %parallel_loop3A_233 = tpu.memref_slice %arg13[%rem3A_143, %parallel_loop3A_231, %parallel_loop3A_232] : memref<2x80x128xf32, #tpu.memory_space<vmem>> -> memref<1x80x128xf32, #tpu.memory_space<vmem>>
        %parallel_loop3A_234 = tpu.memref_squeeze %parallel_loop3A_233 : memref<1x80x128xf32, #tpu.memory_space<vmem>> -> memref<80x128xf32, #tpu.memory_space<vmem>>
        %parallel_loop3A_235 = arith.index_cast %parallel_loop3A_215 : i32 to index
        %parallel_loop3A_236 = arith.constant 0 : index
        %parallel_loop3A_237 = tpu.vector_load %parallel_loop3A_234[%parallel_loop3A_235, %parallel_loop3A_236] {strides = array<i32>} : memref<80x128xf32, #tpu.memory_space<vmem>>, vector<1x16xf32>,
        %parallel_loop3A_238 = vector.shape_cast %parallel_loop3A_237 : vector<1x16xf32> to vector<16xf32>
        %parallel_loop3A_239 = arith.addf %parallel_loop3A_227, %parallel_loop3A_238 : vector<16xf32>
        %parallel_loop3A_240 = arith.constant 0.000000e+00 : f32
        %parallel_loop3A_241 = vector.broadcast %parallel_loop3A_240 : f32 to vector<16xf32>
        %parallel_loop3A_242 = arith.maximumf %parallel_loop3A_239, %parallel_loop3A_241 : vector<16xf32>
        %parallel_loop3A_243 = arith.constant 0 : i32
        %parallel_loop3A_244 = arith.constant 0 : i32
        %parallel_loop3A_245 = tpu.memref_slice %arg13[%rem3A_143, %parallel_loop3A_243, %parallel_loop3A_244] : memref<2x80x128xf32, #tpu.memory_space<vmem>> -> memref<1x80x128xf32, #tpu.memory_space<vmem>>
        %parallel_loop3A_246 = tpu.memref_squeeze %parallel_loop3A_245 : memref<1x80x128xf32, #tpu.memory_space<vmem>> -> memref<80x128xf32, #tpu.memory_space<vmem>>
        %parallel_loop3A_247 = arith.index_cast %parallel_loop3A_215 : i32 to index
        %parallel_loop3A_248 = arith.constant 0 : index
        %parallel_loop3A_249 = tpu.vector_load %parallel_loop3A_246[%parallel_loop3A_247, %parallel_loop3A_248] {strides = array<i32>} : memref<80x128xf32, #tpu.memory_space<vmem>>, vector<1x16xf32>,
        %parallel_loop3A_250 = vector.shape_cast %parallel_loop3A_249 : vector<1x16xf32> to vector<16xf32>
        %parallel_loop3A_251 = vector.shape_cast %parallel_loop3A_242 : vector<16xf32> to vector<1x16xf32>
        tpu.vector_store %parallel_loop3A_246[%parallel_loop3A_247, %parallel_loop3A_248], %parallel_loop3A_251 {strides = array<i32>} : memref<80x128xf32, #tpu.memory_space<vmem>>, vector<1x16xf32>,
        %parallel_loop3A_252 = arith.constant 40 : i32
        %parallel_loop3A_253 = arith.addi %parallel_loop3A_215, %parallel_loop3A_252 : i32
        %parallel_loop3A_254 = arith.constant 0 : i32
        %parallel_loop3A_255 = arith.constant 0 : i32
        %parallel_loop3A_256 = tpu.memref_slice %arg13[%rem3A_143, %parallel_loop3A_254, %parallel_loop3A_255] : memref<2x80x128xf32, #tpu.memory_space<vmem>> -> memref<1x80x128xf32, #tpu.memory_space<vmem>>
        %parallel_loop3A_257 = tpu.memref_squeeze %parallel_loop3A_256 : memref<1x80x128xf32, #tpu.memory_space<vmem>> -> memref<80x128xf32, #tpu.memory_space<vmem>>
        %parallel_loop3A_258 = arith.index_cast %parallel_loop3A_253 : i32 to index
        %parallel_loop3A_259 = arith.constant 0 : index
        %parallel_loop3A_260 = tpu.vector_load %parallel_loop3A_257[%parallel_loop3A_258, %parallel_loop3A_259] {strides = array<i32>} : memref<80x128xf32, #tpu.memory_space<vmem>>, vector<1x16xf32>,
        %parallel_loop3A_261 = vector.shape_cast %parallel_loop3A_260 : vector<1x16xf32> to vector<16xf32>
        %parallel_loop3A_262 = arith.addf %parallel_loop3A_230, %parallel_loop3A_261 : vector<16xf32>
        %parallel_loop3A_263 = arith.constant 0.000000e+00 : f32
        %parallel_loop3A_264 = vector.broadcast %parallel_loop3A_263 : f32 to vector<16xf32>
        %parallel_loop3A_265 = arith.maximumf %parallel_loop3A_262, %parallel_loop3A_264 : vector<16xf32>
        %parallel_loop3A_266 = arith.constant 40 : i32
        %parallel_loop3A_267 = arith.addi %parallel_loop3A_215, %parallel_loop3A_266 : i32
        %parallel_loop3A_268 = arith.constant 0 : i32
        %parallel_loop3A_269 = arith.constant 0 : i32
        %parallel_loop3A_270 = tpu.memref_slice %arg13[%rem3A_143, %parallel_loop3A_268, %parallel_loop3A_269] : memref<2x80x128xf32, #tpu.memory_space<vmem>> -> memref<1x80x128xf32, #tpu.memory_space<vmem>>
        %parallel_loop3A_271 = tpu.memref_squeeze %parallel_loop3A_270 : memref<1x80x128xf32, #tpu.memory_space<vmem>> -> memref<80x128xf32, #tpu.memory_space<vmem>>
        %parallel_loop3A_272 = arith.index_cast %parallel_loop3A_267 : i32 to index
        %parallel_loop3A_273 = arith.constant 0 : index
        %parallel_loop3A_274 = tpu.vector_load %parallel_loop3A_271[%parallel_loop3A_272, %parallel_loop3A_273] {strides = array<i32>} : memref<80x128xf32, #tpu.memory_space<vmem>>, vector<1x16xf32>,
        %parallel_loop3A_275 = vector.shape_cast %parallel_loop3A_274 : vector<1x16xf32> to vector<16xf32>
        %parallel_loop3A_276 = vector.shape_cast %parallel_loop3A_265 : vector<16xf32> to vector<1x16xf32>
        tpu.vector_store %parallel_loop3A_271[%parallel_loop3A_272, %parallel_loop3A_273], %parallel_loop3A_276 {strides = array<i32>} : memref<80x128xf32, #tpu.memory_space<vmem>>, vector<1x16xf32>,
        %parallel_loop3A_277 = arith.constant 0 : i32
        %parallel_loop3A_278 = arith.constant 0 : i32
        %parallel_loop3A_279 = tpu.memref_slice %arg12[%rem3A_143, %parallel_loop3A_277, %parallel_loop3A_278] : memref<2x40x128xi32, #tpu.memory_space<vmem>> -> memref<1x40x128xi32, #tpu.memory_space<vmem>>
        %parallel_loop3A_280 = tpu.memref_squeeze %parallel_loop3A_279 : memref<1x40x128xi32, #tpu.memory_space<vmem>> -> memref<40x128xi32, #tpu.memory_space<vmem>>
        %parallel_loop3A_281 = arith.index_cast %parallel_loop3A_215 : i32 to index
        %parallel_loop3A_282 = arith.constant 16 : index
        %parallel_loop3A_283 = tpu.vector_load %parallel_loop3A_280[%parallel_loop3A_281, %parallel_loop3A_282] {strides = array<i32>} : memref<40x128xi32, #tpu.memory_space<vmem>>, vector<1x16xi32>,
        %parallel_loop3A_284 = vector.shape_cast %parallel_loop3A_283 : vector<1x16xi32> to vector<16xi32>
        %parallel_loop3A_285 = arith.constant 16 : i32
        %parallel_loop3A_286 = vector.broadcast %parallel_loop3A_285 : i32 to vector<16xi32>
        %parallel_loop3A_287 = arith.shli %parallel_loop3A_284, %parallel_loop3A_286 : vector<16xi32>
        %parallel_loop3A_288 = tpu.bitcast %parallel_loop3A_287 : vector<16xi32> -> vector<16xf32>
        %parallel_loop3A_289 = vector.broadcast %scan3A_118 : i32 to vector<16xi32>
        %parallel_loop3A_290 = arith.andi %parallel_loop3A_284, %parallel_loop3A_289 : vector<16xi32>
        %parallel_loop3A_291 = tpu.bitcast %parallel_loop3A_290 : vector<16xi32> -> vector<16xf32>
        %parallel_loop3A_292 = arith.constant 0 : i32
        %parallel_loop3A_293 = arith.constant 0 : i32
        %parallel_loop3A_294 = tpu.memref_slice %arg13[%rem3A_143, %parallel_loop3A_292, %parallel_loop3A_293] : memref<2x80x128xf32, #tpu.memory_space<vmem>> -> memref<1x80x128xf32, #tpu.memory_space<vmem>>
        %parallel_loop3A_295 = tpu.memref_squeeze %parallel_loop3A_294 : memref<1x80x128xf32, #tpu.memory_space<vmem>> -> memref<80x128xf32, #tpu.memory_space<vmem>>
        %parallel_loop3A_296 = arith.index_cast %parallel_loop3A_215 : i32 to index
        %parallel_loop3A_297 = arith.constant 16 : index
        %parallel_loop3A_298 = tpu.vector_load %parallel_loop3A_295[%parallel_loop3A_296, %parallel_loop3A_297] {strides = array<i32>} : memref<80x128xf32, #tpu.memory_space<vmem>>, vector<1x16xf32>,
        %parallel_loop3A_299 = vector.shape_cast %parallel_loop3A_298 : vector<1x16xf32> to vector<16xf32>
        %parallel_loop3A_300 = arith.addf %parallel_loop3A_288, %parallel_loop3A_299 : vector<16xf32>
        %parallel_loop3A_301 = arith.constant 0.000000e+00 : f32
        %parallel_loop3A_302 = vector.broadcast %parallel_loop3A_301 : f32 to vector<16xf32>
        %parallel_loop3A_303 = arith.maximumf %parallel_loop3A_300, %parallel_loop3A_302 : vector<16xf32>
        %parallel_loop3A_304 = arith.constant 0 : i32
        %parallel_loop3A_305 = arith.constant 0 : i32
        %parallel_loop3A_306 = tpu.memref_slice %arg13[%rem3A_143, %parallel_loop3A_304, %parallel_loop3A_305] : memref<2x80x128xf32, #tpu.memory_space<vmem>> -> memref<1x80x128xf32, #tpu.memory_space<vmem>>
        %parallel_loop3A_307 = tpu.memref_squeeze %parallel_loop3A_306 : memref<1x80x128xf32, #tpu.memory_space<vmem>> -> memref<80x128xf32, #tpu.memory_space<vmem>>
        %parallel_loop3A_308 = arith.index_cast %parallel_loop3A_215 : i32 to index
        %parallel_loop3A_309 = arith.constant 16 : index
        %parallel_loop3A_310 = tpu.vector_load %parallel_loop3A_307[%parallel_loop3A_308, %parallel_loop3A_309] {strides = array<i32>} : memref<80x128xf32, #tpu.memory_space<vmem>>, vector<1x16xf32>,
        %parallel_loop3A_311 = vector.shape_cast %parallel_loop3A_310 : vector<1x16xf32> to vector<16xf32>
        %parallel_loop3A_312 = vector.shape_cast %parallel_loop3A_303 : vector<16xf32> to vector<1x16xf32>
        tpu.vector_store %parallel_loop3A_307[%parallel_loop3A_308, %parallel_loop3A_309], %parallel_loop3A_312 {strides = array<i32>} : memref<80x128xf32, #tpu.memory_space<vmem>>, vector<1x16xf32>,
        %parallel_loop3A_313 = arith.constant 40 : i32
        %parallel_loop3A_314 = arith.addi %parallel_loop3A_215, %parallel_loop3A_313 : i32
        %parallel_loop3A_315 = arith.constant 0 : i32
        %parallel_loop3A_316 = arith.constant 0 : i32
        %parallel_loop3A_317 = tpu.memref_slice %arg13[%rem3A_143, %parallel_loop3A_315, %parallel_loop3A_316] : memref<2x80x128xf32, #tpu.memory_space<vmem>> -> memref<1x80x128xf32, #tpu.memory_space<vmem>>
        %parallel_loop3A_318 = tpu.memref_squeeze %parallel_loop3A_317 : memref<1x80x128xf32, #tpu.memory_space<vmem>> -> memref<80x128xf32, #tpu.memory_space<vmem>>
        %parallel_loop3A_319 = arith.index_cast %parallel_loop3A_314 : i32 to index
        %parallel_loop3A_320 = arith.constant 16 : index
        %parallel_loop3A_321 = tpu.vector_load %parallel_loop3A_318[%parallel_loop3A_319, %parallel_loop3A_320] {strides = array<i32>} : memref<80x128xf32, #tpu.memory_space<vmem>>, vector<1x16xf32>,
        %parallel_loop3A_322 = vector.shape_cast %parallel_loop3A_321 : vector<1x16xf32> to vector<16xf32>
        %parallel_loop3A_323 = arith.addf %parallel_loop3A_291, %parallel_loop3A_322 : vector<16xf32>
        %parallel_loop3A_324 = arith.constant 0.000000e+00 : f32
        %parallel_loop3A_325 = vector.broadcast %parallel_loop3A_324 : f32 to vector<16xf32>
        %parallel_loop3A_326 = arith.maximumf %parallel_loop3A_323, %parallel_loop3A_325 : vector<16xf32>
        %parallel_loop3A_327 = arith.constant 40 : i32
        %parallel_loop3A_328 = arith.addi %parallel_loop3A_215, %parallel_loop3A_327 : i32
        %parallel_loop3A_329 = arith.constant 0 : i32
        %parallel_loop3A_330 = arith.constant 0 : i32
        %parallel_loop3A_331 = tpu.memref_slice %arg13[%rem3A_143, %parallel_loop3A_329, %parallel_loop3A_330] : memref<2x80x128xf32, #tpu.memory_space<vmem>> -> memref<1x80x128xf32, #tpu.memory_space<vmem>>
        %parallel_loop3A_332 = tpu.memref_squeeze %parallel_loop3A_331 : memref<1x80x128xf32, #tpu.memory_space<vmem>> -> memref<80x128xf32, #tpu.memory_space<vmem>>
        %parallel_loop3A_333 = arith.index_cast %parallel_loop3A_328 : i32 to index
        %parallel_loop3A_334 = arith.constant 16 : index
        %parallel_loop3A_335 = tpu.vector_load %parallel_loop3A_332[%parallel_loop3A_333, %parallel_loop3A_334] {strides = array<i32>} : memref<80x128xf32, #tpu.memory_space<vmem>>, vector<1x16xf32>,
        %parallel_loop3A_336 = vector.shape_cast %parallel_loop3A_335 : vector<1x16xf32> to vector<16xf32>
        %parallel_loop3A_337 = vector.shape_cast %parallel_loop3A_326 : vector<16xf32> to vector<1x16xf32>
        tpu.vector_store %parallel_loop3A_332[%parallel_loop3A_333, %parallel_loop3A_334], %parallel_loop3A_337 {strides = array<i32>} : memref<80x128xf32, #tpu.memory_space<vmem>>, vector<1x16xf32>,
        %parallel_loop3A_338 = arith.constant 0 : i32
        %parallel_loop3A_339 = arith.constant 0 : i32
        %parallel_loop3A_340 = tpu.memref_slice %arg12[%rem3A_143, %parallel_loop3A_338, %parallel_loop3A_339] : memref<2x40x128xi32, #tpu.memory_space<vmem>> -> memref<1x40x128xi32, #tpu.memory_space<vmem>>
        %parallel_loop3A_341 = tpu.memref_squeeze %parallel_loop3A_340 : memref<1x40x128xi32, #tpu.memory_space<vmem>> -> memref<40x128xi32, #tpu.memory_space<vmem>>
        %parallel_loop3A_342 = arith.index_cast %parallel_loop3A_215 : i32 to index
        %parallel_loop3A_343 = arith.constant 32 : index
        %parallel_loop3A_344 = tpu.vector_load %parallel_loop3A_341[%parallel_loop3A_342, %parallel_loop3A_343] {strides = array<i32>} : memref<40x128xi32, #tpu.memory_space<vmem>>, vector<1x16xi32>,
        %parallel_loop3A_345 = vector.shape_cast %parallel_loop3A_344 : vector<1x16xi32> to vector<16xi32>
        %parallel_loop3A_346 = arith.constant 16 : i32
        %parallel_loop3A_347 = vector.broadcast %parallel_loop3A_346 : i32 to vector<16xi32>
        %parallel_loop3A_348 = arith.shli %parallel_loop3A_345, %parallel_loop3A_347 : vector<16xi32>
        %parallel_loop3A_349 = tpu.bitcast %parallel_loop3A_348 : vector<16xi32> -> vector<16xf32>
        %parallel_loop3A_350 = vector.broadcast %scan3A_118 : i32 to vector<16xi32>
        %parallel_loop3A_351 = arith.andi %parallel_loop3A_345, %parallel_loop3A_350 : vector<16xi32>
        %parallel_loop3A_352 = tpu.bitcast %parallel_loop3A_351 : vector<16xi32> -> vector<16xf32>
        %parallel_loop3A_353 = arith.constant 0 : i32
        %parallel_loop3A_354 = arith.constant 0 : i32
        %parallel_loop3A_355 = tpu.memref_slice %arg13[%rem3A_143, %parallel_loop3A_353, %parallel_loop3A_354] : memref<2x80x128xf32, #tpu.memory_space<vmem>> -> memref<1x80x128xf32, #tpu.memory_space<vmem>>
        %parallel_loop3A_356 = tpu.memref_squeeze %parallel_loop3A_355 : memref<1x80x128xf32, #tpu.memory_space<vmem>> -> memref<80x128xf32, #tpu.memory_space<vmem>>
        %parallel_loop3A_357 = arith.index_cast %parallel_loop3A_215 : i32 to index
        %parallel_loop3A_358 = arith.constant 32 : index
        %parallel_loop3A_359 = tpu.vector_load %parallel_loop3A_356[%parallel_loop3A_357, %parallel_loop3A_358] {strides = array<i32>} : memref<80x128xf32, #tpu.memory_space<vmem>>, vector<1x16xf32>,
        %parallel_loop3A_360 = vector.shape_cast %parallel_loop3A_359 : vector<1x16xf32> to vector<16xf32>
        %parallel_loop3A_361 = arith.addf %parallel_loop3A_349, %parallel_loop3A_360 : vector<16xf32>
        %parallel_loop3A_362 = arith.constant 0.000000e+00 : f32
        %parallel_loop3A_363 = vector.broadcast %parallel_loop3A_362 : f32 to vector<16xf32>
        %parallel_loop3A_364 = arith.maximumf %parallel_loop3A_361, %parallel_loop3A_363 : vector<16xf32>
        %parallel_loop3A_365 = arith.constant 0 : i32
        %parallel_loop3A_366 = arith.constant 0 : i32
        %parallel_loop3A_367 = tpu.memref_slice %arg13[%rem3A_143, %parallel_loop3A_365, %parallel_loop3A_366] : memref<2x80x128xf32, #tpu.memory_space<vmem>> -> memref<1x80x128xf32, #tpu.memory_space<vmem>>
        %parallel_loop3A_368 = tpu.memref_squeeze %parallel_loop3A_367 : memref<1x80x128xf32, #tpu.memory_space<vmem>> -> memref<80x128xf32, #tpu.memory_space<vmem>>
        %parallel_loop3A_369 = arith.index_cast %parallel_loop3A_215 : i32 to index
        %parallel_loop3A_370 = arith.constant 32 : index
        %parallel_loop3A_371 = tpu.vector_load %parallel_loop3A_368[%parallel_loop3A_369, %parallel_loop3A_370] {strides = array<i32>} : memref<80x128xf32, #tpu.memory_space<vmem>>, vector<1x16xf32>,
        %parallel_loop3A_372 = vector.shape_cast %parallel_loop3A_371 : vector<1x16xf32> to vector<16xf32>
        %parallel_loop3A_373 = vector.shape_cast %parallel_loop3A_364 : vector<16xf32> to vector<1x16xf32>
        tpu.vector_store %parallel_loop3A_368[%parallel_loop3A_369, %parallel_loop3A_370], %parallel_loop3A_373 {strides = array<i32>} : memref<80x128xf32, #tpu.memory_space<vmem>>, vector<1x16xf32>,
        %parallel_loop3A_374 = arith.constant 40 : i32
        %parallel_loop3A_375 = arith.addi %parallel_loop3A_215, %parallel_loop3A_374 : i32
        %parallel_loop3A_376 = arith.constant 0 : i32
        %parallel_loop3A_377 = arith.constant 0 : i32
        %parallel_loop3A_378 = tpu.memref_slice %arg13[%rem3A_143, %parallel_loop3A_376, %parallel_loop3A_377] : memref<2x80x128xf32, #tpu.memory_space<vmem>> -> memref<1x80x128xf32, #tpu.memory_space<vmem>>
        %parallel_loop3A_379 = tpu.memref_squeeze %parallel_loop3A_378 : memref<1x80x128xf32, #tpu.memory_space<vmem>> -> memref<80x128xf32, #tpu.memory_space<vmem>>
        %parallel_loop3A_380 = arith.index_cast %parallel_loop3A_375 : i32 to index
        %parallel_loop3A_381 = arith.constant 32 : index
        %parallel_loop3A_382 = tpu.vector_load %parallel_loop3A_379[%parallel_loop3A_380, %parallel_loop3A_381] {strides = array<i32>} : memref<80x128xf32, #tpu.memory_space<vmem>>, vector<1x16xf32>,
        %parallel_loop3A_383 = vector.shape_cast %parallel_loop3A_382 : vector<1x16xf32> to vector<16xf32>
        %parallel_loop3A_384 = arith.addf %parallel_loop3A_352, %parallel_loop3A_383 : vector<16xf32>
        %parallel_loop3A_385 = arith.constant 0.000000e+00 : f32
        %parallel_loop3A_386 = vector.broadcast %parallel_loop3A_385 : f32 to vector<16xf32>
        %parallel_loop3A_387 = arith.maximumf %parallel_loop3A_384, %parallel_loop3A_386 : vector<16xf32>
        %parallel_loop3A_388 = arith.constant 40 : i32
        %parallel_loop3A_389 = arith.addi %parallel_loop3A_215, %parallel_loop3A_388 : i32
        %parallel_loop3A_390 = arith.constant 0 : i32
        %parallel_loop3A_391 = arith.constant 0 : i32
        %parallel_loop3A_392 = tpu.memref_slice %arg13[%rem3A_143, %parallel_loop3A_390, %parallel_loop3A_391] : memref<2x80x128xf32, #tpu.memory_space<vmem>> -> memref<1x80x128xf32, #tpu.memory_space<vmem>>
        %parallel_loop3A_393 = tpu.memref_squeeze %parallel_loop3A_392 : memref<1x80x128xf32, #tpu.memory_space<vmem>> -> memref<80x128xf32, #tpu.memory_space<vmem>>
        %parallel_loop3A_394 = arith.index_cast %parallel_loop3A_389 : i32 to index
        %parallel_loop3A_395 = arith.constant 32 : index
        %parallel_loop3A_396 = tpu.vector_load %parallel_loop3A_393[%parallel_loop3A_394, %parallel_loop3A_395] {strides = array<i32>} : memref<80x128xf32, #tpu.memory_space<vmem>>, vector<1x16xf32>,
        %parallel_loop3A_397 = vector.shape_cast %parallel_loop3A_396 : vector<1x16xf32> to vector<16xf32>
        %parallel_loop3A_398 = vector.shape_cast %parallel_loop3A_387 : vector<16xf32> to vector<1x16xf32>
        tpu.vector_store %parallel_loop3A_393[%parallel_loop3A_394, %parallel_loop3A_395], %parallel_loop3A_398 {strides = array<i32>} : memref<80x128xf32, #tpu.memory_space<vmem>>, vector<1x16xf32>,
        %parallel_loop3A_399 = arith.constant 0 : i32
        %parallel_loop3A_400 = arith.constant 0 : i32
        %parallel_loop3A_401 = tpu.memref_slice %arg12[%rem3A_143, %parallel_loop3A_399, %parallel_loop3A_400] : memref<2x40x128xi32, #tpu.memory_space<vmem>> -> memref<1x40x128xi32, #tpu.memory_space<vmem>>
        %parallel_loop3A_402 = tpu.memref_squeeze %parallel_loop3A_401 : memref<1x40x128xi32, #tpu.memory_space<vmem>> -> memref<40x128xi32, #tpu.memory_space<vmem>>
        %parallel_loop3A_403 = arith.index_cast %parallel_loop3A_215 : i32 to index
        %parallel_loop3A_404 = arith.constant 48 : index
        %parallel_loop3A_405 = tpu.vector_load %parallel_loop3A_402[%parallel_loop3A_403, %parallel_loop3A_404] {strides = array<i32>} : memref<40x128xi32, #tpu.memory_space<vmem>>, vector<1x16xi32>,
        %parallel_loop3A_406 = vector.shape_cast %parallel_loop3A_405 : vector<1x16xi32> to vector<16xi32>
        %parallel_loop3A_407 = arith.constant 16 : i32
        %parallel_loop3A_408 = vector.broadcast %parallel_loop3A_407 : i32 to vector<16xi32>
        %parallel_loop3A_409 = arith.shli %parallel_loop3A_406, %parallel_loop3A_408 : vector<16xi32>
        %parallel_loop3A_410 = tpu.bitcast %parallel_loop3A_409 : vector<16xi32> -> vector<16xf32>
        %parallel_loop3A_411 = vector.broadcast %scan3A_118 : i32 to vector<16xi32>
        %parallel_loop3A_412 = arith.andi %parallel_loop3A_406, %parallel_loop3A_411 : vector<16xi32>
        %parallel_loop3A_413 = tpu.bitcast %parallel_loop3A_412 : vector<16xi32> -> vector<16xf32>
        %parallel_loop3A_414 = arith.constant 0 : i32
        %parallel_loop3A_415 = arith.constant 0 : i32
        %parallel_loop3A_416 = tpu.memref_slice %arg13[%rem3A_143, %parallel_loop3A_414, %parallel_loop3A_415] : memref<2x80x128xf32, #tpu.memory_space<vmem>> -> memref<1x80x128xf32, #tpu.memory_space<vmem>>
        %parallel_loop3A_417 = tpu.memref_squeeze %parallel_loop3A_416 : memref<1x80x128xf32, #tpu.memory_space<vmem>> -> memref<80x128xf32, #tpu.memory_space<vmem>>
        %parallel_loop3A_418 = arith.index_cast %parallel_loop3A_215 : i32 to index
        %parallel_loop3A_419 = arith.constant 48 : index
        %parallel_loop3A_420 = tpu.vector_load %parallel_loop3A_417[%parallel_loop3A_418, %parallel_loop3A_419] {strides = array<i32>} : memref<80x128xf32, #tpu.memory_space<vmem>>, vector<1x16xf32>,
        %parallel_loop3A_421 = vector.shape_cast %parallel_loop3A_420 : vector<1x16xf32> to vector<16xf32>
        %parallel_loop3A_422 = arith.addf %parallel_loop3A_410, %parallel_loop3A_421 : vector<16xf32>
        %parallel_loop3A_423 = arith.constant 0.000000e+00 : f32
        %parallel_loop3A_424 = vector.broadcast %parallel_loop3A_423 : f32 to vector<16xf32>
        %parallel_loop3A_425 = arith.maximumf %parallel_loop3A_422, %parallel_loop3A_424 : vector<16xf32>
        %parallel_loop3A_426 = arith.constant 0 : i32
        %parallel_loop3A_427 = arith.constant 0 : i32
        %parallel_loop3A_428 = tpu.memref_slice %arg13[%rem3A_143, %parallel_loop3A_426, %parallel_loop3A_427] : memref<2x80x128xf32, #tpu.memory_space<vmem>> -> memref<1x80x128xf32, #tpu.memory_space<vmem>>
        %parallel_loop3A_429 = tpu.memref_squeeze %parallel_loop3A_428 : memref<1x80x128xf32, #tpu.memory_space<vmem>> -> memref<80x128xf32, #tpu.memory_space<vmem>>
        %parallel_loop3A_430 = arith.index_cast %parallel_loop3A_215 : i32 to index
        %parallel_loop3A_431 = arith.constant 48 : index
        %parallel_loop3A_432 = tpu.vector_load %parallel_loop3A_429[%parallel_loop3A_430, %parallel_loop3A_431] {strides = array<i32>} : memref<80x128xf32, #tpu.memory_space<vmem>>, vector<1x16xf32>,
        %parallel_loop3A_433 = vector.shape_cast %parallel_loop3A_432 : vector<1x16xf32> to vector<16xf32>
        %parallel_loop3A_434 = vector.shape_cast %parallel_loop3A_425 : vector<16xf32> to vector<1x16xf32>
        tpu.vector_store %parallel_loop3A_429[%parallel_loop3A_430, %parallel_loop3A_431], %parallel_loop3A_434 {strides = array<i32>} : memref<80x128xf32, #tpu.memory_space<vmem>>, vector<1x16xf32>,
        %parallel_loop3A_435 = arith.constant 40 : i32
        %parallel_loop3A_436 = arith.addi %parallel_loop3A_215, %parallel_loop3A_435 : i32
        %parallel_loop3A_437 = arith.constant 0 : i32
        %parallel_loop3A_438 = arith.constant 0 : i32
        %parallel_loop3A_439 = tpu.memref_slice %arg13[%rem3A_143, %parallel_loop3A_437, %parallel_loop3A_438] : memref<2x80x128xf32, #tpu.memory_space<vmem>> -> memref<1x80x128xf32, #tpu.memory_space<vmem>>
        %parallel_loop3A_440 = tpu.memref_squeeze %parallel_loop3A_439 : memref<1x80x128xf32, #tpu.memory_space<vmem>> -> memref<80x128xf32, #tpu.memory_space<vmem>>
        %parallel_loop3A_441 = arith.index_cast %parallel_loop3A_436 : i32 to index
        %parallel_loop3A_442 = arith.constant 48 : index
        %parallel_loop3A_443 = tpu.vector_load %parallel_loop3A_440[%parallel_loop3A_441, %parallel_loop3A_442] {strides = array<i32>} : memref<80x128xf32, #tpu.memory_space<vmem>>, vector<1x16xf32>,
        %parallel_loop3A_444 = vector.shape_cast %parallel_loop3A_443 : vector<1x16xf32> to vector<16xf32>
        %parallel_loop3A_445 = arith.addf %parallel_loop3A_413, %parallel_loop3A_444 : vector<16xf32>
        %parallel_loop3A_446 = arith.constant 0.000000e+00 : f32
        %parallel_loop3A_447 = vector.broadcast %parallel_loop3A_446 : f32 to vector<16xf32>
        %parallel_loop3A_448 = arith.maximumf %parallel_loop3A_445, %parallel_loop3A_447 : vector<16xf32>
        %parallel_loop3A_449 = arith.constant 40 : i32
        %parallel_loop3A_450 = arith.addi %parallel_loop3A_215, %parallel_loop3A_449 : i32
        %parallel_loop3A_451 = arith.constant 0 : i32
        %parallel_loop3A_452 = arith.constant 0 : i32
        %parallel_loop3A_453 = tpu.memref_slice %arg13[%rem3A_143, %parallel_loop3A_451, %parallel_loop3A_452] : memref<2x80x128xf32, #tpu.memory_space<vmem>> -> memref<1x80x128xf32, #tpu.memory_space<vmem>>
        %parallel_loop3A_454 = tpu.memref_squeeze %parallel_loop3A_453 : memref<1x80x128xf32, #tpu.memory_space<vmem>> -> memref<80x128xf32, #tpu.memory_space<vmem>>
        %parallel_loop3A_455 = arith.index_cast %parallel_loop3A_450 : i32 to index
        %parallel_loop3A_456 = arith.constant 48 : index
        %parallel_loop3A_457 = tpu.vector_load %parallel_loop3A_454[%parallel_loop3A_455, %parallel_loop3A_456] {strides = array<i32>} : memref<80x128xf32, #tpu.memory_space<vmem>>, vector<1x16xf32>,
        %parallel_loop3A_458 = vector.shape_cast %parallel_loop3A_457 : vector<1x16xf32> to vector<16xf32>
        %parallel_loop3A_459 = vector.shape_cast %parallel_loop3A_448 : vector<16xf32> to vector<1x16xf32>
        tpu.vector_store %parallel_loop3A_454[%parallel_loop3A_455, %parallel_loop3A_456], %parallel_loop3A_459 {strides = array<i32>} : memref<80x128xf32, #tpu.memory_space<vmem>>, vector<1x16xf32>,
        %parallel_loop3A_460 = arith.constant 0 : i32
        %parallel_loop3A_461 = arith.constant 0 : i32
        %parallel_loop3A_462 = tpu.memref_slice %arg12[%rem3A_143, %parallel_loop3A_460, %parallel_loop3A_461] : memref<2x40x128xi32, #tpu.memory_space<vmem>> -> memref<1x40x128xi32, #tpu.memory_space<vmem>>
        %parallel_loop3A_463 = tpu.memref_squeeze %parallel_loop3A_462 : memref<1x40x128xi32, #tpu.memory_space<vmem>> -> memref<40x128xi32, #tpu.memory_space<vmem>>
        %parallel_loop3A_464 = arith.index_cast %parallel_loop3A_215 : i32 to index
        %parallel_loop3A_465 = arith.constant 64 : index
        %parallel_loop3A_466 = tpu.vector_load %parallel_loop3A_463[%parallel_loop3A_464, %parallel_loop3A_465] {strides = array<i32>} : memref<40x128xi32, #tpu.memory_space<vmem>>, vector<1x16xi32>,
        %parallel_loop3A_467 = vector.shape_cast %parallel_loop3A_466 : vector<1x16xi32> to vector<16xi32>
        %parallel_loop3A_468 = arith.constant 16 : i32
        %parallel_loop3A_469 = vector.broadcast %parallel_loop3A_468 : i32 to vector<16xi32>
        %parallel_loop3A_470 = arith.shli %parallel_loop3A_467, %parallel_loop3A_469 : vector<16xi32>
        %parallel_loop3A_471 = tpu.bitcast %parallel_loop3A_470 : vector<16xi32> -> vector<16xf32>
        %parallel_loop3A_472 = vector.broadcast %scan3A_118 : i32 to vector<16xi32>
        %parallel_loop3A_473 = arith.andi %parallel_loop3A_467, %parallel_loop3A_472 : vector<16xi32>
        %parallel_loop3A_474 = tpu.bitcast %parallel_loop3A_473 : vector<16xi32> -> vector<16xf32>
        %parallel_loop3A_475 = arith.constant 0 : i32
        %parallel_loop3A_476 = arith.constant 0 : i32
        %parallel_loop3A_477 = tpu.memref_slice %arg13[%rem3A_143, %parallel_loop3A_475, %parallel_loop3A_476] : memref<2x80x128xf32, #tpu.memory_space<vmem>> -> memref<1x80x128xf32, #tpu.memory_space<vmem>>
        %parallel_loop3A_478 = tpu.memref_squeeze %parallel_loop3A_477 : memref<1x80x128xf32, #tpu.memory_space<vmem>> -> memref<80x128xf32, #tpu.memory_space<vmem>>
        %parallel_loop3A_479 = arith.index_cast %parallel_loop3A_215 : i32 to index
        %parallel_loop3A_480 = arith.constant 64 : index
        %parallel_loop3A_481 = tpu.vector_load %parallel_loop3A_478[%parallel_loop3A_479, %parallel_loop3A_480] {strides = array<i32>} : memref<80x128xf32, #tpu.memory_space<vmem>>, vector<1x16xf32>,
        %parallel_loop3A_482 = vector.shape_cast %parallel_loop3A_481 : vector<1x16xf32> to vector<16xf32>
        %parallel_loop3A_483 = arith.addf %parallel_loop3A_471, %parallel_loop3A_482 : vector<16xf32>
        %parallel_loop3A_484 = arith.constant 0.000000e+00 : f32
        %parallel_loop3A_485 = vector.broadcast %parallel_loop3A_484 : f32 to vector<16xf32>
        %parallel_loop3A_486 = arith.maximumf %parallel_loop3A_483, %parallel_loop3A_485 : vector<16xf32>
        %parallel_loop3A_487 = arith.constant 0 : i32
        %parallel_loop3A_488 = arith.constant 0 : i32
        %parallel_loop3A_489 = tpu.memref_slice %arg13[%rem3A_143, %parallel_loop3A_487, %parallel_loop3A_488] : memref<2x80x128xf32, #tpu.memory_space<vmem>> -> memref<1x80x128xf32, #tpu.memory_space<vmem>>
        %parallel_loop3A_490 = tpu.memref_squeeze %parallel_loop3A_489 : memref<1x80x128xf32, #tpu.memory_space<vmem>> -> memref<80x128xf32, #tpu.memory_space<vmem>>
        %parallel_loop3A_491 = arith.index_cast %parallel_loop3A_215 : i32 to index
        %parallel_loop3A_492 = arith.constant 64 : index
        %parallel_loop3A_493 = tpu.vector_load %parallel_loop3A_490[%parallel_loop3A_491, %parallel_loop3A_492] {strides = array<i32>} : memref<80x128xf32, #tpu.memory_space<vmem>>, vector<1x16xf32>,
        %parallel_loop3A_494 = vector.shape_cast %parallel_loop3A_493 : vector<1x16xf32> to vector<16xf32>
        %parallel_loop3A_495 = vector.shape_cast %parallel_loop3A_486 : vector<16xf32> to vector<1x16xf32>
        tpu.vector_store %parallel_loop3A_490[%parallel_loop3A_491, %parallel_loop3A_492], %parallel_loop3A_495 {strides = array<i32>} : memref<80x128xf32, #tpu.memory_space<vmem>>, vector<1x16xf32>,
        %parallel_loop3A_496 = arith.constant 40 : i32
        %parallel_loop3A_497 = arith.addi %parallel_loop3A_215, %parallel_loop3A_496 : i32
        %parallel_loop3A_498 = arith.constant 0 : i32
        %parallel_loop3A_499 = arith.constant 0 : i32
        %parallel_loop3A_500 = tpu.memref_slice %arg13[%rem3A_143, %parallel_loop3A_498, %parallel_loop3A_499] : memref<2x80x128xf32, #tpu.memory_space<vmem>> -> memref<1x80x128xf32, #tpu.memory_space<vmem>>
        %parallel_loop3A_501 = tpu.memref_squeeze %parallel_loop3A_500 : memref<1x80x128xf32, #tpu.memory_space<vmem>> -> memref<80x128xf32, #tpu.memory_space<vmem>>
        %parallel_loop3A_502 = arith.index_cast %parallel_loop3A_497 : i32 to index
        %parallel_loop3A_503 = arith.constant 64 : index
        %parallel_loop3A_504 = tpu.vector_load %parallel_loop3A_501[%parallel_loop3A_502, %parallel_loop3A_503] {strides = array<i32>} : memref<80x128xf32, #tpu.memory_space<vmem>>, vector<1x16xf32>,
        %parallel_loop3A_505 = vector.shape_cast %parallel_loop3A_504 : vector<1x16xf32> to vector<16xf32>
        %parallel_loop3A_506 = arith.addf %parallel_loop3A_474, %parallel_loop3A_505 : vector<16xf32>
        %parallel_loop3A_507 = arith.constant 0.000000e+00 : f32
        %parallel_loop3A_508 = vector.broadcast %parallel_loop3A_507 : f32 to vector<16xf32>
        %parallel_loop3A_509 = arith.maximumf %parallel_loop3A_506, %parallel_loop3A_508 : vector<16xf32>
        %parallel_loop3A_510 = arith.constant 40 : i32
        %parallel_loop3A_511 = arith.addi %parallel_loop3A_215, %parallel_loop3A_510 : i32
        %parallel_loop3A_512 = arith.constant 0 : i32
        %parallel_loop3A_513 = arith.constant 0 : i32
        %parallel_loop3A_514 = tpu.memref_slice %arg13[%rem3A_143, %parallel_loop3A_512, %parallel_loop3A_513] : memref<2x80x128xf32, #tpu.memory_space<vmem>> -> memref<1x80x128xf32, #tpu.memory_space<vmem>>
        %parallel_loop3A_515 = tpu.memref_squeeze %parallel_loop3A_514 : memref<1x80x128xf32, #tpu.memory_space<vmem>> -> memref<80x128xf32, #tpu.memory_space<vmem>>
        %parallel_loop3A_516 = arith.index_cast %parallel_loop3A_511 : i32 to index
        %parallel_loop3A_517 = arith.constant 64 : index
        %parallel_loop3A_518 = tpu.vector_load %parallel_loop3A_515[%parallel_loop3A_516, %parallel_loop3A_517] {strides = array<i32>} : memref<80x128xf32, #tpu.memory_space<vmem>>, vector<1x16xf32>,
        %parallel_loop3A_519 = vector.shape_cast %parallel_loop3A_518 : vector<1x16xf32> to vector<16xf32>
        %parallel_loop3A_520 = vector.shape_cast %parallel_loop3A_509 : vector<16xf32> to vector<1x16xf32>
        tpu.vector_store %parallel_loop3A_515[%parallel_loop3A_516, %parallel_loop3A_517], %parallel_loop3A_520 {strides = array<i32>} : memref<80x128xf32, #tpu.memory_space<vmem>>, vector<1x16xf32>,
        %parallel_loop3A_521 = arith.constant 0 : i32
        %parallel_loop3A_522 = arith.constant 0 : i32
        %parallel_loop3A_523 = tpu.memref_slice %arg12[%rem3A_143, %parallel_loop3A_521, %parallel_loop3A_522] : memref<2x40x128xi32, #tpu.memory_space<vmem>> -> memref<1x40x128xi32, #tpu.memory_space<vmem>>
        %parallel_loop3A_524 = tpu.memref_squeeze %parallel_loop3A_523 : memref<1x40x128xi32, #tpu.memory_space<vmem>> -> memref<40x128xi32, #tpu.memory_space<vmem>>
        %parallel_loop3A_525 = arith.index_cast %parallel_loop3A_215 : i32 to index
        %parallel_loop3A_526 = arith.constant 80 : index
        %parallel_loop3A_527 = tpu.vector_load %parallel_loop3A_524[%parallel_loop3A_525, %parallel_loop3A_526] {strides = array<i32>} : memref<40x128xi32, #tpu.memory_space<vmem>>, vector<1x16xi32>,
        %parallel_loop3A_528 = vector.shape_cast %parallel_loop3A_527 : vector<1x16xi32> to vector<16xi32>
        %parallel_loop3A_529 = arith.constant 16 : i32
        %parallel_loop3A_530 = vector.broadcast %parallel_loop3A_529 : i32 to vector<16xi32>
        %parallel_loop3A_531 = arith.shli %parallel_loop3A_528, %parallel_loop3A_530 : vector<16xi32>
        %parallel_loop3A_532 = tpu.bitcast %parallel_loop3A_531 : vector<16xi32> -> vector<16xf32>
        %parallel_loop3A_533 = vector.broadcast %scan3A_118 : i32 to vector<16xi32>
        %parallel_loop3A_534 = arith.andi %parallel_loop3A_528, %parallel_loop3A_533 : vector<16xi32>
        %parallel_loop3A_535 = tpu.bitcast %parallel_loop3A_534 : vector<16xi32> -> vector<16xf32>
        %parallel_loop3A_536 = arith.constant 0 : i32
        %parallel_loop3A_537 = arith.constant 0 : i32
        %parallel_loop3A_538 = tpu.memref_slice %arg13[%rem3A_143, %parallel_loop3A_536, %parallel_loop3A_537] : memref<2x80x128xf32, #tpu.memory_space<vmem>> -> memref<1x80x128xf32, #tpu.memory_space<vmem>>
        %parallel_loop3A_539 = tpu.memref_squeeze %parallel_loop3A_538 : memref<1x80x128xf32, #tpu.memory_space<vmem>> -> memref<80x128xf32, #tpu.memory_space<vmem>>
        %parallel_loop3A_540 = arith.index_cast %parallel_loop3A_215 : i32 to index
        %parallel_loop3A_541 = arith.constant 80 : index
        %parallel_loop3A_542 = tpu.vector_load %parallel_loop3A_539[%parallel_loop3A_540, %parallel_loop3A_541] {strides = array<i32>} : memref<80x128xf32, #tpu.memory_space<vmem>>, vector<1x16xf32>,
        %parallel_loop3A_543 = vector.shape_cast %parallel_loop3A_542 : vector<1x16xf32> to vector<16xf32>
        %parallel_loop3A_544 = arith.addf %parallel_loop3A_532, %parallel_loop3A_543 : vector<16xf32>
        %parallel_loop3A_545 = arith.constant 0.000000e+00 : f32
        %parallel_loop3A_546 = vector.broadcast %parallel_loop3A_545 : f32 to vector<16xf32>
        %parallel_loop3A_547 = arith.maximumf %parallel_loop3A_544, %parallel_loop3A_546 : vector<16xf32>
        %parallel_loop3A_548 = arith.constant 0 : i32
        %parallel_loop3A_549 = arith.constant 0 : i32
        %parallel_loop3A_550 = tpu.memref_slice %arg13[%rem3A_143, %parallel_loop3A_548, %parallel_loop3A_549] : memref<2x80x128xf32, #tpu.memory_space<vmem>> -> memref<1x80x128xf32, #tpu.memory_space<vmem>>
        %parallel_loop3A_551 = tpu.memref_squeeze %parallel_loop3A_550 : memref<1x80x128xf32, #tpu.memory_space<vmem>> -> memref<80x128xf32, #tpu.memory_space<vmem>>
        %parallel_loop3A_552 = arith.index_cast %parallel_loop3A_215 : i32 to index
        %parallel_loop3A_553 = arith.constant 80 : index
        %parallel_loop3A_554 = tpu.vector_load %parallel_loop3A_551[%parallel_loop3A_552, %parallel_loop3A_553] {strides = array<i32>} : memref<80x128xf32, #tpu.memory_space<vmem>>, vector<1x16xf32>,
        %parallel_loop3A_555 = vector.shape_cast %parallel_loop3A_554 : vector<1x16xf32> to vector<16xf32>
        %parallel_loop3A_556 = vector.shape_cast %parallel_loop3A_547 : vector<16xf32> to vector<1x16xf32>
        tpu.vector_store %parallel_loop3A_551[%parallel_loop3A_552, %parallel_loop3A_553], %parallel_loop3A_556 {strides = array<i32>} : memref<80x128xf32, #tpu.memory_space<vmem>>, vector<1x16xf32>,
        %parallel_loop3A_557 = arith.constant 40 : i32
        %parallel_loop3A_558 = arith.addi %parallel_loop3A_215, %parallel_loop3A_557 : i32
        %parallel_loop3A_559 = arith.constant 0 : i32
        %parallel_loop3A_560 = arith.constant 0 : i32
        %parallel_loop3A_561 = tpu.memref_slice %arg13[%rem3A_143, %parallel_loop3A_559, %parallel_loop3A_560] : memref<2x80x128xf32, #tpu.memory_space<vmem>> -> memref<1x80x128xf32, #tpu.memory_space<vmem>>
        %parallel_loop3A_562 = tpu.memref_squeeze %parallel_loop3A_561 : memref<1x80x128xf32, #tpu.memory_space<vmem>> -> memref<80x128xf32, #tpu.memory_space<vmem>>
        %parallel_loop3A_563 = arith.index_cast %parallel_loop3A_558 : i32 to index
        %parallel_loop3A_564 = arith.constant 80 : index
        %parallel_loop3A_565 = tpu.vector_load %parallel_loop3A_562[%parallel_loop3A_563, %parallel_loop3A_564] {strides = array<i32>} : memref<80x128xf32, #tpu.memory_space<vmem>>, vector<1x16xf32>,
        %parallel_loop3A_566 = vector.shape_cast %parallel_loop3A_565 : vector<1x16xf32> to vector<16xf32>
        %parallel_loop3A_567 = arith.addf %parallel_loop3A_535, %parallel_loop3A_566 : vector<16xf32>
        %parallel_loop3A_568 = arith.constant 0.000000e+00 : f32
        %parallel_loop3A_569 = vector.broadcast %parallel_loop3A_568 : f32 to vector<16xf32>
        %parallel_loop3A_570 = arith.maximumf %parallel_loop3A_567, %parallel_loop3A_569 : vector<16xf32>
        %parallel_loop3A_571 = arith.constant 40 : i32
        %parallel_loop3A_572 = arith.addi %parallel_loop3A_215, %parallel_loop3A_571 : i32
        %parallel_loop3A_573 = arith.constant 0 : i32
        %parallel_loop3A_574 = arith.constant 0 : i32
        %parallel_loop3A_575 = tpu.memref_slice %arg13[%rem3A_143, %parallel_loop3A_573, %parallel_loop3A_574] : memref<2x80x128xf32, #tpu.memory_space<vmem>> -> memref<1x80x128xf32, #tpu.memory_space<vmem>>
        %parallel_loop3A_576 = tpu.memref_squeeze %parallel_loop3A_575 : memref<1x80x128xf32, #tpu.memory_space<vmem>> -> memref<80x128xf32, #tpu.memory_space<vmem>>
        %parallel_loop3A_577 = arith.index_cast %parallel_loop3A_572 : i32 to index
        %parallel_loop3A_578 = arith.constant 80 : index
        %parallel_loop3A_579 = tpu.vector_load %parallel_loop3A_576[%parallel_loop3A_577, %parallel_loop3A_578] {strides = array<i32>} : memref<80x128xf32, #tpu.memory_space<vmem>>, vector<1x16xf32>,
        %parallel_loop3A_580 = vector.shape_cast %parallel_loop3A_579 : vector<1x16xf32> to vector<16xf32>
        %parallel_loop3A_581 = vector.shape_cast %parallel_loop3A_570 : vector<16xf32> to vector<1x16xf32>
        tpu.vector_store %parallel_loop3A_576[%parallel_loop3A_577, %parallel_loop3A_578], %parallel_loop3A_581 {strides = array<i32>} : memref<80x128xf32, #tpu.memory_space<vmem>>, vector<1x16xf32>,
        %parallel_loop3A_582 = arith.constant 0 : i32
        %parallel_loop3A_583 = arith.constant 0 : i32
        %parallel_loop3A_584 = tpu.memref_slice %arg12[%rem3A_143, %parallel_loop3A_582, %parallel_loop3A_583] : memref<2x40x128xi32, #tpu.memory_space<vmem>> -> memref<1x40x128xi32, #tpu.memory_space<vmem>>
        %parallel_loop3A_585 = tpu.memref_squeeze %parallel_loop3A_584 : memref<1x40x128xi32, #tpu.memory_space<vmem>> -> memref<40x128xi32, #tpu.memory_space<vmem>>
        %parallel_loop3A_586 = arith.index_cast %parallel_loop3A_215 : i32 to index
        %parallel_loop3A_587 = arith.constant 96 : index
        %parallel_loop3A_588 = tpu.vector_load %parallel_loop3A_585[%parallel_loop3A_586, %parallel_loop3A_587] {strides = array<i32>} : memref<40x128xi32, #tpu.memory_space<vmem>>, vector<1x16xi32>,
        %parallel_loop3A_589 = vector.shape_cast %parallel_loop3A_588 : vector<1x16xi32> to vector<16xi32>
        %parallel_loop3A_590 = arith.constant 16 : i32
        %parallel_loop3A_591 = vector.broadcast %parallel_loop3A_590 : i32 to vector<16xi32>
        %parallel_loop3A_592 = arith.shli %parallel_loop3A_589, %parallel_loop3A_591 : vector<16xi32>
        %parallel_loop3A_593 = tpu.bitcast %parallel_loop3A_592 : vector<16xi32> -> vector<16xf32>
        %parallel_loop3A_594 = vector.broadcast %scan3A_118 : i32 to vector<16xi32>
        %parallel_loop3A_595 = arith.andi %parallel_loop3A_589, %parallel_loop3A_594 : vector<16xi32>
        %parallel_loop3A_596 = tpu.bitcast %parallel_loop3A_595 : vector<16xi32> -> vector<16xf32>
        %parallel_loop3A_597 = arith.constant 0 : i32
        %parallel_loop3A_598 = arith.constant 0 : i32
        %parallel_loop3A_599 = tpu.memref_slice %arg13[%rem3A_143, %parallel_loop3A_597, %parallel_loop3A_598] : memref<2x80x128xf32, #tpu.memory_space<vmem>> -> memref<1x80x128xf32, #tpu.memory_space<vmem>>
        %parallel_loop3A_600 = tpu.memref_squeeze %parallel_loop3A_599 : memref<1x80x128xf32, #tpu.memory_space<vmem>> -> memref<80x128xf32, #tpu.memory_space<vmem>>
        %parallel_loop3A_601 = arith.index_cast %parallel_loop3A_215 : i32 to index
        %parallel_loop3A_602 = arith.constant 96 : index
        %parallel_loop3A_603 = tpu.vector_load %parallel_loop3A_600[%parallel_loop3A_601, %parallel_loop3A_602] {strides = array<i32>} : memref<80x128xf32, #tpu.memory_space<vmem>>, vector<1x16xf32>,
        %parallel_loop3A_604 = vector.shape_cast %parallel_loop3A_603 : vector<1x16xf32> to vector<16xf32>
        %parallel_loop3A_605 = arith.addf %parallel_loop3A_593, %parallel_loop3A_604 : vector<16xf32>
        %parallel_loop3A_606 = arith.constant 0.000000e+00 : f32
        %parallel_loop3A_607 = vector.broadcast %parallel_loop3A_606 : f32 to vector<16xf32>
        %parallel_loop3A_608 = arith.maximumf %parallel_loop3A_605, %parallel_loop3A_607 : vector<16xf32>
        %parallel_loop3A_609 = arith.constant 0 : i32
        %parallel_loop3A_610 = arith.constant 0 : i32
        %parallel_loop3A_611 = tpu.memref_slice %arg13[%rem3A_143, %parallel_loop3A_609, %parallel_loop3A_610] : memref<2x80x128xf32, #tpu.memory_space<vmem>> -> memref<1x80x128xf32, #tpu.memory_space<vmem>>
        %parallel_loop3A_612 = tpu.memref_squeeze %parallel_loop3A_611 : memref<1x80x128xf32, #tpu.memory_space<vmem>> -> memref<80x128xf32, #tpu.memory_space<vmem>>
        %parallel_loop3A_613 = arith.index_cast %parallel_loop3A_215 : i32 to index
        %parallel_loop3A_614 = arith.constant 96 : index
        %parallel_loop3A_615 = tpu.vector_load %parallel_loop3A_612[%parallel_loop3A_613, %parallel_loop3A_614] {strides = array<i32>} : memref<80x128xf32, #tpu.memory_space<vmem>>, vector<1x16xf32>,
        %parallel_loop3A_616 = vector.shape_cast %parallel_loop3A_615 : vector<1x16xf32> to vector<16xf32>
        %parallel_loop3A_617 = vector.shape_cast %parallel_loop3A_608 : vector<16xf32> to vector<1x16xf32>
        tpu.vector_store %parallel_loop3A_612[%parallel_loop3A_613, %parallel_loop3A_614], %parallel_loop3A_617 {strides = array<i32>} : memref<80x128xf32, #tpu.memory_space<vmem>>, vector<1x16xf32>,
        %parallel_loop3A_618 = arith.constant 40 : i32
        %parallel_loop3A_619 = arith.addi %parallel_loop3A_215, %parallel_loop3A_618 : i32
        %parallel_loop3A_620 = arith.constant 0 : i32
        %parallel_loop3A_621 = arith.constant 0 : i32
        %parallel_loop3A_622 = tpu.memref_slice %arg13[%rem3A_143, %parallel_loop3A_620, %parallel_loop3A_621] : memref<2x80x128xf32, #tpu.memory_space<vmem>> -> memref<1x80x128xf32, #tpu.memory_space<vmem>>
        %parallel_loop3A_623 = tpu.memref_squeeze %parallel_loop3A_622 : memref<1x80x128xf32, #tpu.memory_space<vmem>> -> memref<80x128xf32, #tpu.memory_space<vmem>>
        %parallel_loop3A_624 = arith.index_cast %parallel_loop3A_619 : i32 to index
        %parallel_loop3A_625 = arith.constant 96 : index
        %parallel_loop3A_626 = tpu.vector_load %parallel_loop3A_623[%parallel_loop3A_624, %parallel_loop3A_625] {strides = array<i32>} : memref<80x128xf32, #tpu.memory_space<vmem>>, vector<1x16xf32>,
        %parallel_loop3A_627 = vector.shape_cast %parallel_loop3A_626 : vector<1x16xf32> to vector<16xf32>
        %parallel_loop3A_628 = arith.addf %parallel_loop3A_596, %parallel_loop3A_627 : vector<16xf32>
        %parallel_loop3A_629 = arith.constant 0.000000e+00 : f32
        %parallel_loop3A_630 = vector.broadcast %parallel_loop3A_629 : f32 to vector<16xf32>
        %parallel_loop3A_631 = arith.maximumf %parallel_loop3A_628, %parallel_loop3A_630 : vector<16xf32>
        %parallel_loop3A_632 = arith.constant 40 : i32
        %parallel_loop3A_633 = arith.addi %parallel_loop3A_215, %parallel_loop3A_632 : i32
        %parallel_loop3A_634 = arith.constant 0 : i32
        %parallel_loop3A_635 = arith.constant 0 : i32
        %parallel_loop3A_636 = tpu.memref_slice %arg13[%rem3A_143, %parallel_loop3A_634, %parallel_loop3A_635] : memref<2x80x128xf32, #tpu.memory_space<vmem>> -> memref<1x80x128xf32, #tpu.memory_space<vmem>>
        %parallel_loop3A_637 = tpu.memref_squeeze %parallel_loop3A_636 : memref<1x80x128xf32, #tpu.memory_space<vmem>> -> memref<80x128xf32, #tpu.memory_space<vmem>>
        %parallel_loop3A_638 = arith.index_cast %parallel_loop3A_633 : i32 to index
        %parallel_loop3A_639 = arith.constant 96 : index
        %parallel_loop3A_640 = tpu.vector_load %parallel_loop3A_637[%parallel_loop3A_638, %parallel_loop3A_639] {strides = array<i32>} : memref<80x128xf32, #tpu.memory_space<vmem>>, vector<1x16xf32>,
        %parallel_loop3A_641 = vector.shape_cast %parallel_loop3A_640 : vector<1x16xf32> to vector<16xf32>
        %parallel_loop3A_642 = vector.shape_cast %parallel_loop3A_631 : vector<16xf32> to vector<1x16xf32>
        tpu.vector_store %parallel_loop3A_637[%parallel_loop3A_638, %parallel_loop3A_639], %parallel_loop3A_642 {strides = array<i32>} : memref<80x128xf32, #tpu.memory_space<vmem>>, vector<1x16xf32>,
        %parallel_loop3A_643 = arith.constant 0 : i32
        %parallel_loop3A_644 = arith.constant 0 : i32
        %parallel_loop3A_645 = tpu.memref_slice %arg12[%rem3A_143, %parallel_loop3A_643, %parallel_loop3A_644] : memref<2x40x128xi32, #tpu.memory_space<vmem>> -> memref<1x40x128xi32, #tpu.memory_space<vmem>>
        %parallel_loop3A_646 = tpu.memref_squeeze %parallel_loop3A_645 : memref<1x40x128xi32, #tpu.memory_space<vmem>> -> memref<40x128xi32, #tpu.memory_space<vmem>>
        %parallel_loop3A_647 = arith.index_cast %parallel_loop3A_215 : i32 to index
        %parallel_loop3A_648 = arith.constant 112 : index
        %parallel_loop3A_649 = tpu.vector_load %parallel_loop3A_646[%parallel_loop3A_647, %parallel_loop3A_648] {strides = array<i32>} : memref<40x128xi32, #tpu.memory_space<vmem>>, vector<1x16xi32>,
        %parallel_loop3A_650 = vector.shape_cast %parallel_loop3A_649 : vector<1x16xi32> to vector<16xi32>
        %parallel_loop3A_651 = arith.constant 16 : i32
        %parallel_loop3A_652 = vector.broadcast %parallel_loop3A_651 : i32 to vector<16xi32>
        %parallel_loop3A_653 = arith.shli %parallel_loop3A_650, %parallel_loop3A_652 : vector<16xi32>
        %parallel_loop3A_654 = tpu.bitcast %parallel_loop3A_653 : vector<16xi32> -> vector<16xf32>
        %parallel_loop3A_655 = vector.broadcast %scan3A_118 : i32 to vector<16xi32>
        %parallel_loop3A_656 = arith.andi %parallel_loop3A_650, %parallel_loop3A_655 : vector<16xi32>
        %parallel_loop3A_657 = tpu.bitcast %parallel_loop3A_656 : vector<16xi32> -> vector<16xf32>
        %parallel_loop3A_658 = arith.constant 0 : i32
        %parallel_loop3A_659 = arith.constant 0 : i32
        %parallel_loop3A_660 = tpu.memref_slice %arg13[%rem3A_143, %parallel_loop3A_658, %parallel_loop3A_659] : memref<2x80x128xf32, #tpu.memory_space<vmem>> -> memref<1x80x128xf32, #tpu.memory_space<vmem>>
        %parallel_loop3A_661 = tpu.memref_squeeze %parallel_loop3A_660 : memref<1x80x128xf32, #tpu.memory_space<vmem>> -> memref<80x128xf32, #tpu.memory_space<vmem>>
        %parallel_loop3A_662 = arith.index_cast %parallel_loop3A_215 : i32 to index
        %parallel_loop3A_663 = arith.constant 112 : index
        %parallel_loop3A_664 = tpu.vector_load %parallel_loop3A_661[%parallel_loop3A_662, %parallel_loop3A_663] {strides = array<i32>} : memref<80x128xf32, #tpu.memory_space<vmem>>, vector<1x16xf32>,
        %parallel_loop3A_665 = vector.shape_cast %parallel_loop3A_664 : vector<1x16xf32> to vector<16xf32>
        %parallel_loop3A_666 = arith.addf %parallel_loop3A_654, %parallel_loop3A_665 : vector<16xf32>
        %parallel_loop3A_667 = arith.constant 0.000000e+00 : f32
        %parallel_loop3A_668 = vector.broadcast %parallel_loop3A_667 : f32 to vector<16xf32>
        %parallel_loop3A_669 = arith.maximumf %parallel_loop3A_666, %parallel_loop3A_668 : vector<16xf32>
        %parallel_loop3A_670 = arith.constant 0 : i32
        %parallel_loop3A_671 = arith.constant 0 : i32
        %parallel_loop3A_672 = tpu.memref_slice %arg13[%rem3A_143, %parallel_loop3A_670, %parallel_loop3A_671] : memref<2x80x128xf32, #tpu.memory_space<vmem>> -> memref<1x80x128xf32, #tpu.memory_space<vmem>>
        %parallel_loop3A_673 = tpu.memref_squeeze %parallel_loop3A_672 : memref<1x80x128xf32, #tpu.memory_space<vmem>> -> memref<80x128xf32, #tpu.memory_space<vmem>>
        %parallel_loop3A_674 = arith.index_cast %parallel_loop3A_215 : i32 to index
        %parallel_loop3A_675 = arith.constant 112 : index
        %parallel_loop3A_676 = tpu.vector_load %parallel_loop3A_673[%parallel_loop3A_674, %parallel_loop3A_675] {strides = array<i32>} : memref<80x128xf32, #tpu.memory_space<vmem>>, vector<1x16xf32>,
        %parallel_loop3A_677 = vector.shape_cast %parallel_loop3A_676 : vector<1x16xf32> to vector<16xf32>
        %parallel_loop3A_678 = vector.shape_cast %parallel_loop3A_669 : vector<16xf32> to vector<1x16xf32>
        tpu.vector_store %parallel_loop3A_673[%parallel_loop3A_674, %parallel_loop3A_675], %parallel_loop3A_678 {strides = array<i32>} : memref<80x128xf32, #tpu.memory_space<vmem>>, vector<1x16xf32>,
        %parallel_loop3A_679 = arith.constant 40 : i32
        %parallel_loop3A_680 = arith.addi %parallel_loop3A_215, %parallel_loop3A_679 : i32
        %parallel_loop3A_681 = arith.constant 0 : i32
        %parallel_loop3A_682 = arith.constant 0 : i32
        %parallel_loop3A_683 = tpu.memref_slice %arg13[%rem3A_143, %parallel_loop3A_681, %parallel_loop3A_682] : memref<2x80x128xf32, #tpu.memory_space<vmem>> -> memref<1x80x128xf32, #tpu.memory_space<vmem>>
        %parallel_loop3A_684 = tpu.memref_squeeze %parallel_loop3A_683 : memref<1x80x128xf32, #tpu.memory_space<vmem>> -> memref<80x128xf32, #tpu.memory_space<vmem>>
        %parallel_loop3A_685 = arith.index_cast %parallel_loop3A_680 : i32 to index
        %parallel_loop3A_686 = arith.constant 112 : index
        %parallel_loop3A_687 = tpu.vector_load %parallel_loop3A_684[%parallel_loop3A_685, %parallel_loop3A_686] {strides = array<i32>} : memref<80x128xf32, #tpu.memory_space<vmem>>, vector<1x16xf32>,
        %parallel_loop3A_688 = vector.shape_cast %parallel_loop3A_687 : vector<1x16xf32> to vector<16xf32>
        %parallel_loop3A_689 = arith.addf %parallel_loop3A_657, %parallel_loop3A_688 : vector<16xf32>
        %parallel_loop3A_690 = arith.constant 0.000000e+00 : f32
        %parallel_loop3A_691 = vector.broadcast %parallel_loop3A_690 : f32 to vector<16xf32>
        %parallel_loop3A_692 = arith.maximumf %parallel_loop3A_689, %parallel_loop3A_691 : vector<16xf32>
        %parallel_loop3A_693 = arith.constant 40 : i32
        %parallel_loop3A_694 = arith.addi %parallel_loop3A_215, %parallel_loop3A_693 : i32
        %parallel_loop3A_695 = arith.constant 0 : i32
        %parallel_loop3A_696 = arith.constant 0 : i32
        %parallel_loop3A_697 = tpu.memref_slice %arg13[%rem3A_143, %parallel_loop3A_695, %parallel_loop3A_696] : memref<2x80x128xf32, #tpu.memory_space<vmem>> -> memref<1x80x128xf32, #tpu.memory_space<vmem>>
        %parallel_loop3A_698 = tpu.memref_squeeze %parallel_loop3A_697 : memref<1x80x128xf32, #tpu.memory_space<vmem>> -> memref<80x128xf32, #tpu.memory_space<vmem>>
        %parallel_loop3A_699 = arith.index_cast %parallel_loop3A_694 : i32 to index
        %parallel_loop3A_700 = arith.constant 112 : index
        %parallel_loop3A_701 = tpu.vector_load %parallel_loop3A_698[%parallel_loop3A_699, %parallel_loop3A_700] {strides = array<i32>} : memref<80x128xf32, #tpu.memory_space<vmem>>, vector<1x16xf32>,
        %parallel_loop3A_702 = vector.shape_cast %parallel_loop3A_701 : vector<1x16xf32> to vector<16xf32>
        %parallel_loop3A_703 = vector.shape_cast %parallel_loop3A_692 : vector<16xf32> to vector<1x16xf32>
        tpu.vector_store %parallel_loop3A_698[%parallel_loop3A_699, %parallel_loop3A_700], %parallel_loop3A_703 {strides = array<i32>} : memref<80x128xf32, #tpu.memory_space<vmem>>, vector<1x16xf32>,
      } {sc.loop_unroll_factor = 4 : i64, sc.parallel_access}
      %ge3A_200 = arith.constant 2 : i32
      %ge3A_201 = arith.cmpi sge, %scan3A_142, %ge3A_200 : i32
      %convert_element_type3A_202 = arith.extui %ge3A_201 : i1 to i32
      %cond3A_203 = arith.constant 0 : i32
      %cond3A_204 = arith.cmpi ne, %convert_element_type3A_202, %cond3A_203 : i32
      scf.if %cond3A_204 {
        %dma_wait3A_215 = arith.constant 0 : i32
        %dma_wait3A_216 = arith.constant 0 : i32
        %dma_wait3A_217 = tpu.memref_slice %arg11[%dma_wait3A_215, %dma_wait3A_216] : memref<2x80xi32, #tpu.memory_space<vmem>> -> memref<1x80xi32, #tpu.memory_space<vmem>>
        %dma_wait3A_218 = tpu.memref_squeeze %dma_wait3A_217 : memref<1x80xi32, #tpu.memory_space<vmem>> -> memref<80xi32, #tpu.memory_space<vmem>>
        %dma_wait3A_219 = arith.constant 0 : i32
        %dma_wait3A_220 = tpu.memref_slice %arg5[%dma_wait3A_219] : memref<320000xi32, #tpu.memory_space<hbm>> -> memref<80xi32, #tpu.memory_space<hbm>>
        %dma_wait3A_221 = arith.constant 0 : i32
        %dma_wait3A_222 = tpu.memref_slice %arg11[%dma_wait3A_215, %dma_wait3A_221] : memref<2x80xi32, #tpu.memory_space<vmem>> -> memref<1x80xi32, #tpu.memory_space<vmem>>
        %dma_wait3A_223 = tpu.memref_squeeze %dma_wait3A_222 : memref<1x80xi32, #tpu.memory_space<vmem>> -> memref<80xi32, #tpu.memory_space<vmem>>
        %dma_wait3A_224 = arith.constant 0 : i32
        %dma_wait3A_225 = tpu.memref_slice %arg5[%dma_wait3A_224] : memref<320000xi32, #tpu.memory_space<hbm>> -> memref<80xi32, #tpu.memory_space<hbm>>
        tpu.wait_dma2 semaphore(%arg14 : memref<!tpu.dma_semaphore, #tpu.memory_space<semaphore_mem>>) src(%dma_wait3A_225 : memref<80xi32, #tpu.memory_space<hbm>>) dst(%dma_wait3A_223 : memref<80xi32, #tpu.memory_space<vmem>>)
      } else {
      }
      %dma_start3A_205 = arith.constant 0 : i32
      %dma_start3A_206 = arith.constant 0 : i32
      %dma_start3A_207 = tpu.memref_slice %arg13[%rem3A_143, %dma_start3A_205, %dma_start3A_206] : memref<2x80x128xf32, #tpu.memory_space<vmem>> -> memref<1x80x128xf32, #tpu.memory_space<vmem>>
      %dma_start3A_208 = tpu.memref_squeeze %dma_start3A_207 : memref<1x80x128xf32, #tpu.memory_space<vmem>> -> memref<80x128xf32, #tpu.memory_space<vmem>>
      %dma_start3A_209 = arith.constant 0 : i32
      %dma_start3A_210 = tpu.memref_slice %arg11[%rem3A_143, %dma_start3A_209] : memref<2x80xi32, #tpu.memory_space<vmem>> -> memref<1x80xi32, #tpu.memory_space<vmem>>
      %dma_start3A_211 = tpu.memref_squeeze %dma_start3A_210 : memref<1x80xi32, #tpu.memory_space<vmem>> -> memref<80xi32, #tpu.memory_space<vmem>>
      %dma_start3A_212 = arith.constant 0 : i32
      %dma_start3A_213 = arith.constant 0 : i32
      %dma_start3A_214 = tpu.memref_slice %arg8[%dma_start3A_212, %dma_start3A_213] : memref<10000x128xf32, #tpu.memory_space<vmem_shared>> -> memref<10000x128xf32, #tpu.memory_space<vmem_shared>>
      tpu.enqueue_indirect_dma source(%dma_start3A_208 : memref<80x128xf32, #tpu.memory_space<vmem>>) target(%dma_start3A_214 : memref<10000x128xf32, #tpu.memory_space<vmem_shared>>) offsets(%dma_start3A_211 : memref<80xi32, #tpu.memory_space<vmem>>) semaphore(%arg17 : memref<!tpu.dma_semaphore, #tpu.memory_space<semaphore_mem>>) {add = true}
    }
    %scan3A_123 = arith.constant 125 : i32
    %dma_wait3A_124 = arith.constant 0 : i32
    %dma_wait3A_125 = arith.constant 0 : i32
    %dma_wait3A_126 = arith.constant 0 : i32
    %dma_wait3A_127 = arith.constant 0 : i32
    %dma_wait3A_128 = tpu.memref_slice %arg13[%dma_wait3A_124, %dma_wait3A_126, %dma_wait3A_127] : memref<2x80x128xf32, #tpu.memory_space<vmem>> -> memref<1x80x128xf32, #tpu.memory_space<vmem>>
    %dma_wait3A_129 = tpu.memref_squeeze %dma_wait3A_128 : memref<1x80x128xf32, #tpu.memory_space<vmem>> -> memref<80x128xf32, #tpu.memory_space<vmem>>
    %dma_wait3A_130 = arith.constant 0 : i32
    %dma_wait3A_131 = tpu.memref_slice %arg11[%dma_wait3A_125, %dma_wait3A_130] : memref<2x80xi32, #tpu.memory_space<vmem>> -> memref<1x80xi32, #tpu.memory_space<vmem>>
    %dma_wait3A_132 = tpu.memref_squeeze %dma_wait3A_131 : memref<1x80xi32, #tpu.memory_space<vmem>> -> memref<80xi32, #tpu.memory_space<vmem>>
    %dma_wait3A_133 = arith.constant 0 : i32
    %dma_wait3A_134 = arith.constant 0 : i32
    %dma_wait3A_135 = tpu.memref_slice %arg8[%dma_wait3A_133, %dma_wait3A_134] : memref<10000x128xf32, #tpu.memory_space<vmem_shared>> -> memref<10000x128xf32, #tpu.memory_space<vmem_shared>>
    tpu.wait_indirect_dma semaphore(%arg17 : memref<!tpu.dma_semaphore, #tpu.memory_space<semaphore_mem>>) src(%dma_wait3A_129 : memref<80x128xf32, #tpu.memory_space<vmem>>) dst(%dma_wait3A_135 : memref<10000x128xf32, #tpu.memory_space<vmem_shared>>)
    %barrier3A_136 = arith.constant 0 : index
    tpu.barrier barrier_id(%barrier3A_136)
    "tpu.region"() ({
      %run_scoped3A = tpu.sem_alloc : memref<!tpu.dma_semaphore, #tpu.memory_space<semaphore_mem>>
      %dma_start3A_142 = arith.constant 0 : i32
      %dma_start3A_143 = tpu.memref_slice %arg7[%arg0, %mul3A_2, %dma_start3A_142] : memref<2x10000x128xf32, #tpu.memory_space<hbm>> -> memref<1x624x128xf32, #tpu.memory_space<hbm>>
      %dma_start3A_144 = tpu.memref_squeeze %dma_start3A_143 : memref<1x624x128xf32, #tpu.memory_space<hbm>> -> memref<624x128xf32, #tpu.memory_space<hbm>>
      %dma_start3A_145 = arith.constant 0 : i32
      %dma_start3A_146 = tpu.memref_slice %arg8[%mul3A_2, %dma_start3A_145] : memref<10000x128xf32, #tpu.memory_space<vmem_shared>> -> memref<624x128xf32, #tpu.memory_space<vmem_shared>>
      tpu.enqueue_dma source(%dma_start3A_146 : memref<624x128xf32, #tpu.memory_space<vmem_shared>>) target(%dma_start3A_144 : memref<624x128xf32, #tpu.memory_space<hbm>>) target_semaphore(%run_scoped3A : memref<!tpu.dma_semaphore, #tpu.memory_space<semaphore_mem>>)
      %dma_wait3A_147 = arith.constant 0 : i32
      %dma_wait3A_148 = tpu.memref_slice %arg7[%arg0, %mul3A_2, %dma_wait3A_147] : memref<2x10000x128xf32, #tpu.memory_space<hbm>> -> memref<1x624x128xf32, #tpu.memory_space<hbm>>
      %dma_wait3A_149 = tpu.memref_squeeze %dma_wait3A_148 : memref<1x624x128xf32, #tpu.memory_space<hbm>> -> memref<624x128xf32, #tpu.memory_space<hbm>>
      %dma_wait3A_150 = arith.constant 0 : i32
      %dma_wait3A_151 = tpu.memref_slice %arg8[%mul3A_2, %dma_wait3A_150] : memref<10000x128xf32, #tpu.memory_space<vmem_shared>> -> memref<624x128xf32, #tpu.memory_space<vmem_shared>>
      tpu.wait_dma2 semaphore(%run_scoped3A : memref<!tpu.dma_semaphore, #tpu.memory_space<semaphore_mem>>) src(%dma_wait3A_151 : memref<624x128xf32, #tpu.memory_space<vmem_shared>>) dst(%dma_wait3A_149 : memref<624x128xf32, #tpu.memory_space<hbm>>)
      tpu.yield
    }) : () -> ()
    %eq3A_137 = arith.constant 15 : i32
    %eq3A_138 = arith.cmpi eq, %arg1, %eq3A_137 : i32
    %convert_element_type3A_139 = arith.extui %eq3A_138 : i1 to i32
    %cond3A_140 = arith.constant 0 : i32
    %cond3A_141 = arith.cmpi ne, %convert_element_type3A_139, %cond3A_140 : i32
    scf.if %cond3A_141 {
      "tpu.region"() ({
        %run_scoped3A = tpu.sem_alloc : memref<!tpu.dma_semaphore, #tpu.memory_space<semaphore_mem>>
        %dma_start3A_142 = arith.constant 9984 : i32
        %dma_start3A_143 = arith.constant 0 : i32
        %dma_start3A_144 = tpu.memref_slice %arg7[%arg0, %dma_start3A_142, %dma_start3A_143] : memref<2x10000x128xf32, #tpu.memory_space<hbm>> -> memref<1x16x128xf32, #tpu.memory_space<hbm>>
        %dma_start3A_145 = tpu.memref_squeeze %dma_start3A_144 : memref<1x16x128xf32, #tpu.memory_space<hbm>> -> memref<16x128xf32, #tpu.memory_space<hbm>>
        %dma_start3A_146 = arith.constant 9984 : i32
        %dma_start3A_147 = arith.constant 0 : i32
        %dma_start3A_148 = tpu.memref_slice %arg8[%dma_start3A_146, %dma_start3A_147] : memref<10000x128xf32, #tpu.memory_space<vmem_shared>> -> memref<16x128xf32, #tpu.memory_space<vmem_shared>>
        tpu.enqueue_dma source(%dma_start3A_148 : memref<16x128xf32, #tpu.memory_space<vmem_shared>>) target(%dma_start3A_145 : memref<16x128xf32, #tpu.memory_space<hbm>>) target_semaphore(%run_scoped3A : memref<!tpu.dma_semaphore, #tpu.memory_space<semaphore_mem>>)
        %dma_wait3A_149 = arith.constant 9984 : i32
        %dma_wait3A_150 = arith.constant 0 : i32
        %dma_wait3A_151 = tpu.memref_slice %arg7[%arg0, %dma_wait3A_149, %dma_wait3A_150] : memref<2x10000x128xf32, #tpu.memory_space<hbm>> -> memref<1x16x128xf32, #tpu.memory_space<hbm>>
        %dma_wait3A_152 = tpu.memref_squeeze %dma_wait3A_151 : memref<1x16x128xf32, #tpu.memory_space<hbm>> -> memref<16x128xf32, #tpu.memory_space<hbm>>
        %dma_wait3A_153 = arith.constant 9984 : i32
        %dma_wait3A_154 = arith.constant 0 : i32
        %dma_wait3A_155 = tpu.memref_slice %arg8[%dma_wait3A_153, %dma_wait3A_154] : memref<10000x128xf32, #tpu.memory_space<vmem_shared>> -> memref<16x128xf32, #tpu.memory_space<vmem_shared>>
        tpu.wait_dma2 semaphore(%run_scoped3A : memref<!tpu.dma_semaphore, #tpu.memory_space<semaphore_mem>>) src(%dma_wait3A_155 : memref<16x128xf32, #tpu.memory_space<vmem_shared>>) dst(%dma_wait3A_152 : memref<16x128xf32, #tpu.memory_space<hbm>>)
        tpu.yield
      }) : () -> ()
    } else {
    }
    return
  }
}

module attributes {stable_mosaic.version = 14 : i64} {
  func.func @_bn_body(%arg0: i32, %arg1: memref<2000x128xf32, #tpu.memory_space<vmem>>, %arg2: memref<1x128xf32, #tpu.memory_space<vmem>>, %arg3: memref<1x128xf32, #tpu.memory_space<vmem>>, %arg4: memref<1x128xf32, #tpu.memory_space<vmem>>, %arg5: memref<1x128xf32, #tpu.memory_space<vmem>>, %arg6: memref<2000x128xf32, #tpu.memory_space<vmem>>) attributes {dimension_semantics = [#tpu.dimension_semantics<arbitrary>], iteration_bounds = array<i64: 5>, scalar_prefetch = 0 : i64, scratch_operands = 0 : i64, tpu.core_type = #tpu.core_type<tc>, window_params = [{transform_indices = @transform_0, window_bounds = array<i64: 2000, 128>}, {pipeline_mode = #tpu.pipeline_mode<synchronous>, transform_indices = @transform_1, window_bounds = array<i64: 1, 128>}, {pipeline_mode = #tpu.pipeline_mode<synchronous>, transform_indices = @transform_2, window_bounds = array<i64: 1, 128>}, {pipeline_mode = #tpu.pipeline_mode<synchronous>, transform_indices = @transform_3, window_bounds = array<i64: 1, 128>}, {pipeline_mode = #tpu.pipeline_mode<synchronous>, transform_indices = @transform_4, window_bounds = array<i64: 1, 128>}, {transform_indices = @transform_5, window_bounds = array<i64: 2000, 128>}]} {
    %get3A = arith.constant 0 : index
    %get3A_0 = arith.constant 0 : index
    %get3A_1 = vector.load %arg2[%get3A, %get3A_0] : memref<1x128xf32, #tpu.memory_space<vmem>>, vector<1x128xf32>
    %get3A_2 = arith.constant 0 : index
    %get3A_3 = arith.constant 0 : index
    %get3A_4 = vector.load %arg5[%get3A_2, %get3A_3] : memref<1x128xf32, #tpu.memory_space<vmem>>, vector<1x128xf32>
    %add3A = arith.constant 9.99999974E-6 : f32
    %add3A_5 = vector.broadcast %add3A : f32 to vector<1x128xf32>
    %add3A_6 = arith.addf %get3A_4, %add3A_5 : vector<1x128xf32>
    %rsqrt3A = math.rsqrt %add3A_6 : vector<1x128xf32>
    %mul3A = arith.mulf %get3A_1, %rsqrt3A : vector<1x128xf32>
    %get3A_7 = arith.constant 0 : index
    %get3A_8 = arith.constant 0 : index
    %get3A_9 = vector.load %arg1[%get3A_7, %get3A_8] : memref<2000x128xf32, #tpu.memory_space<vmem>>, vector<2000x128xf32>
    %get3A_10 = arith.constant 0 : index
    %get3A_11 = arith.constant 0 : index
    %get3A_12 = vector.load %arg4[%get3A_10, %get3A_11] : memref<1x128xf32, #tpu.memory_space<vmem>>, vector<1x128xf32>
    %sub3A = vector.broadcast %get3A_12 : vector<1x128xf32> to vector<2000x128xf32>
    %sub3A_13 = arith.subf %get3A_9, %sub3A : vector<2000x128xf32>
    %mul3A_14 = vector.broadcast %mul3A : vector<1x128xf32> to vector<2000x128xf32>
    %mul3A_15 = arith.mulf %sub3A_13, %mul3A_14 : vector<2000x128xf32>
    %get3A_16 = arith.constant 0 : index
    %get3A_17 = arith.constant 0 : index
    %get3A_18 = vector.load %arg3[%get3A_16, %get3A_17] : memref<1x128xf32, #tpu.memory_space<vmem>>, vector<1x128xf32>
    %add3A_19 = vector.broadcast %get3A_18 : vector<1x128xf32> to vector<2000x128xf32>
    %add3A_20 = arith.addf %mul3A_15, %add3A_19 : vector<2000x128xf32>
    %swap3A = arith.constant 0 : index
    %swap3A_21 = arith.constant 0 : index
    %swap3A_22 = vector.load %arg6[%swap3A, %swap3A_21] : memref<2000x128xf32, #tpu.memory_space<vmem>>, vector<2000x128xf32>
    tpu.vector_store %arg6[%swap3A, %swap3A_21], %add3A_20 {strides = array<i32>} : memref<2000x128xf32, #tpu.memory_space<vmem>>, vector<2000x128xf32>,
    return
  }
  func.func @transform_0(%arg0: i32) -> (i32, i32) {
    %c0_i32 = arith.constant 0 : i32
    %c0_i32_0 = arith.constant 0 : i32
    return %arg0, %c0_i32 : i32, i32
  }
  func.func @transform_1(%arg0: i32) -> (i32, i32) {
    %c0_i32 = arith.constant 0 : i32
    %c0_i32_0 = arith.constant 0 : i32
    %c0_i32_1 = arith.constant 0 : i32
    return %c0_i32, %c0_i32_0 : i32, i32
  }
  func.func @transform_2(%arg0: i32) -> (i32, i32) {
    %c0_i32 = arith.constant 0 : i32
    %c0_i32_0 = arith.constant 0 : i32
    %c0_i32_1 = arith.constant 0 : i32
    return %c0_i32, %c0_i32_0 : i32, i32
  }
  func.func @transform_3(%arg0: i32) -> (i32, i32) {
    %c0_i32 = arith.constant 0 : i32
    %c0_i32_0 = arith.constant 0 : i32
    %c0_i32_1 = arith.constant 0 : i32
    return %c0_i32, %c0_i32_0 : i32, i32
  }
  func.func @transform_4(%arg0: i32) -> (i32, i32) {
    %c0_i32 = arith.constant 0 : i32
    %c0_i32_0 = arith.constant 0 : i32
    %c0_i32_1 = arith.constant 0 : i32
    return %c0_i32, %c0_i32_0 : i32, i32
  }
  func.func @transform_5(%arg0: i32) -> (i32, i32) {
    %c0_i32 = arith.constant 0 : i32
    %c0_i32_0 = arith.constant 0 : i32
    return %arg0, %c0_i32 : i32, i32
  }
}

module attributes {stable_mosaic.version = 14 : i64} {
  func.func @_proj_body(%arg0: i32, %arg1: memref<2000x128xf32, #tpu.memory_space<vmem>>, %arg2: memref<2000x128xf32, #tpu.memory_space<vmem>>, %arg3: memref<128x128xf32, #tpu.memory_space<vmem>>, %arg4: memref<1x128xf32, #tpu.memory_space<vmem>>, %arg5: memref<2000x128xi32, #tpu.memory_space<vmem>>) attributes {dimension_semantics = [#tpu.dimension_semantics<arbitrary>], iteration_bounds = array<i64: 80>, scalar_prefetch = 0 : i64, scratch_operands = 0 : i64, tpu.core_type = #tpu.core_type<tc>, window_params = [{transform_indices = @transform_0, window_bounds = array<i64: 2000, 128>}, {transform_indices = @transform_1, window_bounds = array<i64: 2000, 128>}, {pipeline_mode = #tpu.pipeline_mode<synchronous>, transform_indices = @transform_2, window_bounds = array<i64: 128, 128>}, {pipeline_mode = #tpu.pipeline_mode<synchronous>, transform_indices = @transform_3, window_bounds = array<i64: 1, 128>}, {transform_indices = @transform_4, window_bounds = array<i64: 2000, 128>}]} {
    %get3A = arith.constant 0 : index
    %get3A_0 = arith.constant 0 : index
    %get3A_1 = vector.load %arg1[%get3A, %get3A_0] : memref<2000x128xf32, #tpu.memory_space<vmem>>, vector<2000x128xf32>
    %get3A_2 = arith.constant 0 : index
    %get3A_3 = arith.constant 0 : index
    %get3A_4 = vector.load %arg3[%get3A_2, %get3A_3] : memref<128x128xf32, #tpu.memory_space<vmem>>, vector<128x128xf32>
    %dot_general3A = arith.constant dense<0.000000e+00> : vector<2000x128xf32>
    %dot_general3A_5 = tpu.matmul %get3A_1, %get3A_4, %dot_general3A {dimension_numbers = #tpu.dot_dimension_numbers<[1], [0], [0], [1], [0, 0, 1, 1], [], []>, transpose_lhs_hint = false} : vector<2000x128xf32>, vector<128x128xf32>, vector<2000x128xf32> -> vector<2000x128xf32>
    %get3A_6 = arith.constant 0 : index
    %get3A_7 = arith.constant 0 : index
    %get3A_8 = vector.load %arg4[%get3A_6, %get3A_7] : memref<1x128xf32, #tpu.memory_space<vmem>>, vector<1x128xf32>
    %add3A = vector.broadcast %get3A_8 : vector<1x128xf32> to vector<2000x128xf32>
    %add3A_9 = arith.addf %dot_general3A_5, %add3A : vector<2000x128xf32>
    %get3A_10 = arith.constant 0 : index
    %get3A_11 = arith.constant 0 : index
    %get3A_12 = vector.load %arg2[%get3A_10, %get3A_11] : memref<2000x128xf32, #tpu.memory_space<vmem>>, vector<2000x128xf32>
    %get3A_13 = arith.constant 0 : index
    %get3A_14 = arith.constant 0 : index
    %get3A_15 = vector.load %arg3[%get3A_13, %get3A_14] : memref<128x128xf32, #tpu.memory_space<vmem>>, vector<128x128xf32>
    %dot_general3A_16 = arith.constant dense<0.000000e+00> : vector<2000x128xf32>
    %dot_general3A_17 = tpu.matmul %get3A_12, %get3A_15, %dot_general3A_16 {dimension_numbers = #tpu.dot_dimension_numbers<[1], [0], [0], [1], [0, 0, 1, 1], [], []>, transpose_lhs_hint = false} : vector<2000x128xf32>, vector<128x128xf32>, vector<2000x128xf32> -> vector<2000x128xf32>
    %get3A_18 = arith.constant 0 : index
    %get3A_19 = arith.constant 0 : index
    %get3A_20 = vector.load %arg4[%get3A_18, %get3A_19] : memref<1x128xf32, #tpu.memory_space<vmem>>, vector<1x128xf32>
    %add3A_21 = vector.broadcast %get3A_20 : vector<1x128xf32> to vector<2000x128xf32>
    %add3A_22 = arith.addf %dot_general3A_17, %add3A_21 : vector<2000x128xf32>
    %convert_element_type3A = arith.truncf %add3A_9 : vector<2000x128xf32> to vector<2000x128xbf16>
    %bitcast_convert_type3A = tpu.bitcast %convert_element_type3A : vector<2000x128xbf16> -> vector<2000x128xi16>
    %convert_element_type3A_23 = arith.extui %bitcast_convert_type3A : vector<2000x128xi16> to vector<2000x128xi32>
    %convert_element_type3A_24 = arith.truncf %add3A_22 : vector<2000x128xf32> to vector<2000x128xbf16>
    %bitcast_convert_type3A_25 = tpu.bitcast %convert_element_type3A_24 : vector<2000x128xbf16> -> vector<2000x128xi16>
    %convert_element_type3A_26 = arith.extui %bitcast_convert_type3A_25 : vector<2000x128xi16> to vector<2000x128xi32>
    %shift_left3A = arith.constant 16 : i32
    %shift_left3A_27 = vector.broadcast %shift_left3A : i32 to vector<2000x128xi32>
    %shift_left3A_28 = arith.shli %convert_element_type3A_26, %shift_left3A_27 : vector<2000x128xi32>
    %or3A = arith.ori %convert_element_type3A_23, %shift_left3A_28 : vector<2000x128xi32>
    %swap3A = arith.constant 0 : index
    %swap3A_29 = arith.constant 0 : index
    %swap3A_30 = vector.load %arg5[%swap3A, %swap3A_29] : memref<2000x128xi32, #tpu.memory_space<vmem>>, vector<2000x128xi32>
    tpu.vector_store %arg5[%swap3A, %swap3A_29], %or3A {strides = array<i32>} : memref<2000x128xi32, #tpu.memory_space<vmem>>, vector<2000x128xi32>,
    return
  }
  func.func @transform_0(%arg0: i32) -> (i32, i32) {
    %c0_i32 = arith.constant 0 : i32
    %c0_i32_0 = arith.constant 0 : i32
    return %arg0, %c0_i32 : i32, i32
  }
  func.func @transform_1(%arg0: i32) -> (i32, i32) {
    %add3A = arith.constant 80 : i32
    %add3A_0 = arith.addi %arg0, %add3A : i32
    %c0_i32 = arith.constant 0 : i32
    %c0_i32_1 = arith.constant 0 : i32
    return %add3A_0, %c0_i32 : i32, i32
  }
  func.func @transform_2(%arg0: i32) -> (i32, i32) {
    %c0_i32 = arith.constant 0 : i32
    %c0_i32_0 = arith.constant 0 : i32
    %c0_i32_1 = arith.constant 0 : i32
    return %c0_i32, %c0_i32_0 : i32, i32
  }
  func.func @transform_3(%arg0: i32) -> (i32, i32) {
    %c0_i32 = arith.constant 0 : i32
    %c0_i32_0 = arith.constant 0 : i32
    %c0_i32_1 = arith.constant 0 : i32
    return %c0_i32, %c0_i32_0 : i32, i32
  }
  func.func @transform_4(%arg0: i32) -> (i32, i32) {
    %c0_i32 = arith.constant 0 : i32
    %c0_i32_0 = arith.constant 0 : i32
    return %arg0, %c0_i32 : i32, i32
  }
}

module attributes {stable_mosaic.version = 14 : i64} {
  func.func @_mlp_body(%arg0: i32, %arg1: memref<2000x128xf32, #tpu.memory_space<vmem>>, %arg2: memref<2000x128xf32, #tpu.memory_space<vmem>>, %arg3: memref<2x2000x128xf32, #tpu.memory_space<vmem>>, %arg4: memref<1xf32, #tpu.memory_space<smem>>, %arg5: memref<128x256xf32, #tpu.memory_space<vmem>>, %arg6: memref<1x256xf32, #tpu.memory_space<vmem>>, %arg7: memref<256x128xf32, #tpu.memory_space<vmem>>, %arg8: memref<1x128xf32, #tpu.memory_space<vmem>>, %arg9: memref<2000x128xf32, #tpu.memory_space<vmem>>) attributes {dimension_semantics = [#tpu.dimension_semantics<arbitrary>], iteration_bounds = array<i64: 5>, scalar_prefetch = 0 : i64, scratch_operands = 0 : i64, tpu.core_type = #tpu.core_type<tc>, window_params = [{transform_indices = @transform_0, window_bounds = array<i64: 2000, 128>}, {transform_indices = @transform_1, window_bounds = array<i64: 2000, 128>}, {transform_indices = @transform_2, window_bounds = array<i64: 2, 2000, 128>}, {transform_indices = @transform_3, window_bounds = array<i64: 1>}, {pipeline_mode = #tpu.pipeline_mode<synchronous>, transform_indices = @transform_4, window_bounds = array<i64: 128, 256>}, {pipeline_mode = #tpu.pipeline_mode<synchronous>, transform_indices = @transform_5, window_bounds = array<i64: 1, 256>}, {pipeline_mode = #tpu.pipeline_mode<synchronous>, transform_indices = @transform_6, window_bounds = array<i64: 256, 128>}, {pipeline_mode = #tpu.pipeline_mode<synchronous>, transform_indices = @transform_7, window_bounds = array<i64: 1, 128>}, {transform_indices = @transform_8, window_bounds = array<i64: 2000, 128>}]} {
    %get3A = arith.constant 0 : index
    %get3A_0 = memref.load %arg4[%get3A] : memref<1xf32, #tpu.memory_space<smem>>
    %add3A = arith.constant 1.000000e+00 : f32
    %add3A_1 = arith.addf %add3A, %get3A_0 : f32
    %get3A_2 = arith.constant 0 : index
    %get3A_3 = arith.constant 0 : index
    %get3A_4 = vector.load %arg2[%get3A_2, %get3A_3] : memref<2000x128xf32, #tpu.memory_space<vmem>>, vector<2000x128xf32>
    %mul3A = vector.broadcast %add3A_1 : f32 to vector<2000x128xf32>
    %mul3A_5 = arith.mulf %mul3A, %get3A_4 : vector<2000x128xf32>
    %get3A_6 = arith.constant 0 : index
    %get3A_7 = arith.constant 0 : index
    %get3A_8 = arith.constant 0 : index
    %get3A_9 = vector.load %arg3[%get3A_6, %get3A_7, %get3A_8] : memref<2x2000x128xf32, #tpu.memory_space<vmem>>, vector<1x2000x128xf32>
    %get3A_10 = vector.shape_cast %get3A_9 : vector<1x2000x128xf32> to vector<2000x128xf32>
    %add3A_11 = arith.addf %mul3A_5, %get3A_10 : vector<2000x128xf32>
    %get3A_12 = arith.constant 1 : index
    %get3A_13 = arith.constant 0 : index
    %get3A_14 = arith.constant 0 : index
    %get3A_15 = vector.load %arg3[%get3A_12, %get3A_13, %get3A_14] : memref<2x2000x128xf32, #tpu.memory_space<vmem>>, vector<1x2000x128xf32>
    %get3A_16 = vector.shape_cast %get3A_15 : vector<1x2000x128xf32> to vector<2000x128xf32>
    %add3A_17 = arith.addf %add3A_11, %get3A_16 : vector<2000x128xf32>
    %get3A_18 = arith.constant 0 : index
    %get3A_19 = arith.constant 0 : index
    %get3A_20 = vector.load %arg5[%get3A_18, %get3A_19] : memref<128x256xf32, #tpu.memory_space<vmem>>, vector<128x256xf32>
    %dot_general3A = arith.constant dense<0.000000e+00> : vector<2000x256xf32>
    %dot_general3A_21 = tpu.matmul %add3A_17, %get3A_20, %dot_general3A {dimension_numbers = #tpu.dot_dimension_numbers<[1], [0], [0], [1], [0, 0, 1, 1], [], []>, transpose_lhs_hint = false} : vector<2000x128xf32>, vector<128x256xf32>, vector<2000x256xf32> -> vector<2000x256xf32>
    %get3A_22 = arith.constant 0 : index
    %get3A_23 = arith.constant 0 : index
    %get3A_24 = vector.load %arg6[%get3A_22, %get3A_23] : memref<1x256xf32, #tpu.memory_space<vmem>>, vector<1x256xf32>
    %add3A_25 = vector.broadcast %get3A_24 : vector<1x256xf32> to vector<2000x256xf32>
    %add3A_26 = arith.addf %dot_general3A_21, %add3A_25 : vector<2000x256xf32>
    %mul3A_27 = arith.constant 5.000000e-01 : f32
    %mul3A_28 = vector.broadcast %mul3A_27 : f32 to vector<2000x256xf32>
    %mul3A_29 = arith.mulf %mul3A_28, %add3A_26 : vector<2000x256xf32>
    %mul3A_30 = arith.constant 0.707106769 : f32
    %mul3A_31 = vector.broadcast %mul3A_30 : f32 to vector<2000x256xf32>
    %mul3A_32 = arith.mulf %add3A_26, %mul3A_31 : vector<2000x256xf32>
    %erf3A = math.erf %mul3A_32 : vector<2000x256xf32>
    %add3A_33 = arith.constant 1.000000e+00 : f32
    %add3A_34 = vector.broadcast %add3A_33 : f32 to vector<2000x256xf32>
    %add3A_35 = arith.addf %add3A_34, %erf3A : vector<2000x256xf32>
    %mul3A_36 = arith.mulf %mul3A_29, %add3A_35 : vector<2000x256xf32>
    %get3A_37 = arith.constant 0 : index
    %get3A_38 = arith.constant 0 : index
    %get3A_39 = vector.load %arg7[%get3A_37, %get3A_38] : memref<256x128xf32, #tpu.memory_space<vmem>>, vector<256x128xf32>
    %dot_general3A_40 = arith.constant dense<0.000000e+00> : vector<2000x128xf32>
    %dot_general3A_41 = tpu.matmul %mul3A_36, %get3A_39, %dot_general3A_40 {dimension_numbers = #tpu.dot_dimension_numbers<[1], [0], [0], [1], [0, 0, 1, 1], [], []>, transpose_lhs_hint = false} : vector<2000x256xf32>, vector<256x128xf32>, vector<2000x128xf32> -> vector<2000x128xf32>
    %get3A_42 = arith.constant 0 : index
    %get3A_43 = arith.constant 0 : index
    %get3A_44 = vector.load %arg8[%get3A_42, %get3A_43] : memref<1x128xf32, #tpu.memory_space<vmem>>, vector<1x128xf32>
    %add3A_45 = vector.broadcast %get3A_44 : vector<1x128xf32> to vector<2000x128xf32>
    %add3A_46 = arith.addf %dot_general3A_41, %add3A_45 : vector<2000x128xf32>
    %get3A_47 = arith.constant 0 : index
    %get3A_48 = arith.constant 0 : index
    %get3A_49 = vector.load %arg1[%get3A_47, %get3A_48] : memref<2000x128xf32, #tpu.memory_space<vmem>>, vector<2000x128xf32>
    %mul3A_50 = arith.constant 5.000000e-01 : f32
    %mul3A_51 = vector.broadcast %mul3A_50 : f32 to vector<2000x128xf32>
    %mul3A_52 = arith.mulf %mul3A_51, %add3A_46 : vector<2000x128xf32>
    %mul3A_53 = arith.constant 0.707106769 : f32
    %mul3A_54 = vector.broadcast %mul3A_53 : f32 to vector<2000x128xf32>
    %mul3A_55 = arith.mulf %add3A_46, %mul3A_54 : vector<2000x128xf32>
    %erf3A_56 = math.erf %mul3A_55 : vector<2000x128xf32>
    %add3A_57 = arith.constant 1.000000e+00 : f32
    %add3A_58 = vector.broadcast %add3A_57 : f32 to vector<2000x128xf32>
    %add3A_59 = arith.addf %add3A_58, %erf3A_56 : vector<2000x128xf32>
    %mul3A_60 = arith.mulf %mul3A_52, %add3A_59 : vector<2000x128xf32>
    %add3A_61 = arith.addf %get3A_49, %mul3A_60 : vector<2000x128xf32>
    %swap3A = arith.constant 0 : index
    %swap3A_62 = arith.constant 0 : index
    %swap3A_63 = vector.load %arg9[%swap3A, %swap3A_62] : memref<2000x128xf32, #tpu.memory_space<vmem>>, vector<2000x128xf32>
    tpu.vector_store %arg9[%swap3A, %swap3A_62], %add3A_61 {strides = array<i32>} : memref<2000x128xf32, #tpu.memory_space<vmem>>, vector<2000x128xf32>,
    return
  }
  func.func @transform_0(%arg0: i32) -> (i32, i32) {
    %c0_i32 = arith.constant 0 : i32
    %c0_i32_0 = arith.constant 0 : i32
    return %arg0, %c0_i32 : i32, i32
  }
  func.func @transform_1(%arg0: i32) -> (i32, i32) {
    %c0_i32 = arith.constant 0 : i32
    %c0_i32_0 = arith.constant 0 : i32
    return %arg0, %c0_i32 : i32, i32
  }
  func.func @transform_2(%arg0: i32) -> (i32, i32, i32) {
    %c0_i32 = arith.constant 0 : i32
    %c0_i32_0 = arith.constant 0 : i32
    %c0_i32_1 = arith.constant 0 : i32
    return %c0_i32, %arg0, %c0_i32_0 : i32, i32, i32
  }
  func.func @transform_3(%arg0: i32) -> i32 {
    %c0_i32 = arith.constant 0 : i32
    %c0_i32_0 = arith.constant 0 : i32
    return %c0_i32 : i32
  }
  func.func @transform_4(%arg0: i32) -> (i32, i32) {
    %c0_i32 = arith.constant 0 : i32
    %c0_i32_0 = arith.constant 0 : i32
    %c0_i32_1 = arith.constant 0 : i32
    return %c0_i32, %c0_i32_0 : i32, i32
  }
  func.func @transform_5(%arg0: i32) -> (i32, i32) {
    %c0_i32 = arith.constant 0 : i32
    %c0_i32_0 = arith.constant 0 : i32
    %c0_i32_1 = arith.constant 0 : i32
    return %c0_i32, %c0_i32_0 : i32, i32
  }
  func.func @transform_6(%arg0: i32) -> (i32, i32) {
    %c0_i32 = arith.constant 0 : i32
    %c0_i32_0 = arith.constant 0 : i32
    %c0_i32_1 = arith.constant 0 : i32
    return %c0_i32, %c0_i32_0 : i32, i32
  }
  func.func @transform_7(%arg0: i32) -> (i32, i32) {
    %c0_i32 = arith.constant 0 : i32
    %c0_i32_0 = arith.constant 0 : i32
    %c0_i32_1 = arith.constant 0 : i32
    return %c0_i32, %c0_i32_0 : i32, i32
  }
  func.func @transform_8(%arg0: i32) -> (i32, i32) {
    %c0_i32 = arith.constant 0 : i32
    %c0_i32_0 = arith.constant 0 : i32
    return %arg0, %c0_i32 : i32, i32
  }
}

</mosaic_0001>

<sc_bundles>
// kernel: kernel.6.cloned.1.call-start
scs
__scs_entry_jumppad:
0x0: {  	(pc) =	sbr.rel $0x88, $3  }
0x1: {  	(tag) =	ssettag $0x0;
	lr =	simm.s32 $0x1  }
0x2: {  	[smem:$0x3F93] =	sst lr;
	_ =	strace $0xD0000000  }
0x3: {  	_ = 	snop  }
0x4: {  	_ = 	snop  }
0x5: {  	_ = 	snop  }
0x6: {  	_ = 	snop  }
0x7: {  	_ = 	snop  }
__scs_overlays_trampoline_lowered:
0x8: {  	[smem:$0x3FA2] =	sst s0  }
0x9: {  	[smem:$0x3FA3] =	sst s1  }
0xa: {  	[smem:$0x3FA4] =	sst s2  }
0xb: {  	[smem:$0x3FA5] =	sst s3  }
0xc: {  	[smem:$0x3FA6] =	sst s4  }
0xd: {  	[smem:$0x3FA7] =	sst s5  }
0xe: {  	[smem:$0x3FA8] =	sst s6  }
0xf: {  	[smem:$0x3FA9] =	sst s7  }
0x10: {  	[smem:$0x3FAA] =	sst s8  }
0x11: {  	[smem:$0x3FAB] =	sst s9;
	s0 =	simm.s32 @!p0 $0x0  }
0x12: {  	s1 =	sld [smem:$0x3F91];
	s0 =	simm.s32 @p0 $0x1  }
0x13: {  	[smem:$0x3FAC] =	sst s0;
	s0 =	simm.s32 @!p1 $0x0  }
0x14: {  	s2 =	sld [smem:$0x3F90];
	s0 =	simm.s32 @p1 $0x1  }
0x15: {  	[smem:$0x3FAD] =	sst s0;
	s0 =	simm.s32 @!p2 $0x0  }
0x16: {  	s3 =	sld [smem:$0x3FDB];
	s0 =	simm.s32 @p2 $0x1  }
0x17: {  	s4 =	simm.s32 $0x1BF5;
	[smem:$0x3FAF] =	sst s0  }
0x18: {  	s0 =	sld [smem:$0x3F92];
	_ =	swait.ge [sflag:s4], $0x0  }
0x19: {  	s7 =	sld [smem:$0x3F93]  }
0x1a: {  	s8 =	sadd.s32 $0xFFFFE003, lr  }
0x1b: {  	s9 =	sadd.s32 $0xFFFFFEF7, lr;
	s5 =	simm.s32 $0xFFFFFFFF;
	p2 =	slt.u32 s8, $0xFFFFF086  }
0x1c: {  	p1 =	slt.u32 s9, $0xF7A;
	s5 =	simm.s32 @!p2 $0x0  }
0x1d: {  	s5 =	simm.s32 @p1 $0x1;
	p0 =	seq.s32 s7, s2  }
0x1e: {  	s7 =	smul.u32 @!p0 $0xF7A, s2;
	p2 =	seq.s32 @!p0 s5, $0x0  }
0x1f: {  	s9 =	smul.u32 $0xF7A, s1;
	s8 =	simm.s32 @!p0 $0x1BF5;
	p2 =	por !p2, p0  }
0x20: {  	[sflag:s8] =	ssyncset.s32 @!p0 $0xFFFFF086;
	s6 =	sadd.s32 @!p0 s3, s7;
	s7 =	simm.s32 @!p0 $0x108  }
0x21: {  	s3 =	sadd.s32 s3, s9;
	s6 =	sadd.s32 @!p0 $0x88, s6;
	s7 =	simm.s32 @p2 $0x1082  }
0x22: {  	[simem:s7], [sflag:s8] =	dma.local @!p0 [hbm:s6], $0xF7A  }
0x23: {  	s9 =	sor.u32 $0xD0000000, s2;
	s6 =	simm.s32 $0x108;
	_ =	swait.ge @!p0 [sflag:s8], $0x0  }
0x24: {  	s3 =	sadd.s32 $0x88, s3;
	s6 =	simm.s32 @!p1 $0x1082;
	[sflag:s4] =	ssyncset.s32 $0xFFFFF086  }
0x25: {  	[simem:s6], [sflag:s4] =	dma.local [hbm:s3], $0xF7A  }
0x26: {  	[smem:$0x3F93] =	sst s1;
	(tag) =	ssettag s2;
	_ =	strace s9  }
0x27: {  	s1 =	sld [smem:$0x3FA3]  }
0x28: {  	s2 =	sld [smem:$0x3FA4]  }
0x29: {  	s4 =	sld [smem:$0x3FA6]  }
0x2a: {  	p0 =	seq.s32 s5, $0x0;
	s5 =	sld [smem:$0x3FA7]  }
0x2b: {  	s6 =	sld [smem:$0x3FA8]  }
0x2c: {  	s7 =	sld [smem:$0x3FA9]  }
0x2d: {  	s3 =	simm.s32 $0x108;
	s8 =	sld [smem:$0x3FAA]  }
0x2e: {  	s3 =	simm.s32 @!p0 $0x1082;
	s9 =	sld [smem:$0x3FAB]  }
0x2f: {  	lr =	sadd.s32 s0, s3;
	s0 =	sld [smem:$0x3FA2]  }
0x30: {  	s3 =	sld [smem:$0x3FA5]  }
0x31: {  	[smem:$0x3FAE] =	sst s10  }
0x32: {  	s10 =	sld [smem:$0x3FAC];
	_ =	sdelay $0x3  }
0x33: {  	p0 =	seq.s32 s10, $0x1;
	s10 =	sld [smem:$0x3FAE];
	_ =	sdelay $0x3  }
0x34: {  	[smem:$0x3FAE] =	sst s10  }
0x35: {  	s10 =	sld [smem:$0x3FAD];
	_ =	sdelay $0x3  }
0x36: {  	p1 =	seq.s32 s10, $0x1;
	s10 =	sld [smem:$0x3FAE];
	_ =	sdelay $0x3  }
0x37: {  	[smem:$0x3FAE] =	sst s10  }
0x38: {  	s10 =	sld [smem:$0x3FAF]  }
0x39: {  	_ = 	snop;
	(pc) =	sbr.ind lr, $3  }
0x3a: {  	_ = 	snop  }
0x3b: {  	_ = 	snop  }
0x3c: {  	p2 =	seq.s32 s10, $0x1;
	s10 =	sld [smem:$0x3FAE]  }
0x3d: {  	_ =	shalt  }
0x3e: {  	_ =	shalt  }
0x3f: {  	_ =	shalt  }
0x40: {  	_ =	shalt  }
0x41: {  	_ =	shalt  }
0x42: {  	_ =	shalt  }
0x43: {  	_ =	shalt  }
0x44: {  	_ =	shalt  }
0x45: {  	_ =	shalt  }
0x46: {  	_ =	shalt  }
0x47: {  	_ =	shalt  }
0x48: {  	_ =	shalt  }
0x49: {  	_ =	shalt  }
0x4a: {  	_ =	shalt  }
0x4b: {  	_ =	shalt  }
0x4c: {  	_ =	shalt  }
0x4d: {  	_ =	shalt  }
0x4e: {  	_ =	shalt  }
0x4f: {  	_ =	shalt  }
0x50: {  	_ =	shalt  }
0x51: {  	_ =	shalt  }
0x52: {  	_ =	shalt  }
0x53: {  	_ =	shalt  }
0x54: {  	_ =	shalt  }
0x55: {  	_ =	shalt  }
0x56: {  	_ =	shalt  }
0x57: {  	_ =	shalt  }
0x58: {  	_ =	shalt  }
0x59: {  	_ =	shalt  }
0x5a: {  	_ =	shalt  }
0x5b: {  	_ =	shalt  }
0x5c: {  	_ =	shalt  }
0x5d: {  	_ =	shalt  }
0x5e: {  	_ =	shalt  }
0x5f: {  	_ =	shalt  }
0x60: {  	_ =	shalt  }
0x61: {  	_ =	shalt  }
0x62: {  	_ =	shalt  }
0x63: {  	_ =	shalt  }
0x64: {  	_ =	shalt  }
0x65: {  	_ =	shalt  }
0x66: {  	_ =	shalt  }
0x67: {  	_ =	shalt  }
0x68: {  	_ =	shalt  }
0x69: {  	_ =	shalt  }
0x6a: {  	_ =	shalt  }
0x6b: {  	_ =	shalt  }
0x6c: {  	_ =	shalt  }
0x6d: {  	_ =	shalt  }
0x6e: {  	_ =	shalt  }
0x6f: {  	_ =	shalt  }
0x70: {  	_ =	shalt  }
0x71: {  	_ =	shalt  }
0x72: {  	_ =	shalt  }
0x73: {  	_ =	shalt  }
0x74: {  	_ =	shalt  }
0x75: {  	_ =	shalt  }
0x76: {  	_ =	shalt  }
0x77: {  	_ =	shalt  }
0x78: {  	_ =	shalt  }
0x79: {  	_ =	shalt  }
0x7a: {  	_ =	shalt  }
0x7b: {  	_ =	shalt  }
0x7c: {  	_ =	shalt  }
0x7d: {  	_ =	shalt  }
0x7e: {  	_ =	shalt  }
0x7f: {  	_ =	shalt  }
0x80: {  	_ =	shalt  }
0x81: {  	_ =	shalt  }
0x82: {  	_ =	shalt  }
0x83: {  	_ =	shalt  }
0x84: {  	_ =	shalt  }
0x85: {  	_ =	shalt  }
0x86: {  	_ =	shalt  }
0x87: {  	_ =	shalt  }
.Lfunc_end0:
.L_simem_size_0:
called_computation_lowered:
.L_overlay_start_0:
0x88: {  	s2 =	sld [smem:$0x3FD9]  }
0x89: {  	s3 =	sld [smem:$0x3FFE];
	_ =	sdelay $0x1  }
0x8a: {  	s1 =	srdreg.scid  }
0x8b: {  	s0 =	sand.u32 $0x1, s1  }
0x8c: {  	s17 =	sshll.u32 s0, $0xA;
	s2 =	sadd.s32 s3, s2  }
0x8d: {  	s2 =	sadd.s32 s2, s17  }
0x8e: {  	[smem:$0x3FBA] =	sst s2  }
0x8f: {  	_ = 	snop  }
0x90: {  	s2 =	sld [smem:$0x3FD0];
	(tm) =	ssettm $0x1  }
0x91: {  	s18 =	sld [smem:$0x3FFB];
	_ =	sdelay $0x3  }
0x92: {  	_ =	strace s18  }
0x93: {  	s3 =	sld [smem:$0x3FFC];
	_ =	sdelay $0x3  }
0x94: {  	_ =	strace s3  }
0x95: {  	s3 =	sld [smem:$0x3FFD];
	_ =	sdelay $0x3  }
0x96: {  	_ =	strace s3  }
0x97: {  	_ =	strace $0x8FFFFFFF  }
0x98: {  	s19 =	sld [smem:$0x3FDB];
	_ =	sdelay $0x1  }
0x99: {  	s4 =	simm.s32 $_scs_section_size  }
0x9a: {  	s5 =	simm.s32 $_size__tile_overlayer_lowered;
	s6 =	simm.s32 $_tile_overlayer_lowered  }
0x9b: {  	s22 =	simm.s32 $0x1BFF;
	s21 =	sshll.u32 s6, $0x1;
	s3 =	sadd.s32 s4, s19  }
0x9c: {  	s7 =	simm.s32 $0x0;
	s20 =	sshll.u32 s5, $0x1;
	s5 =	sadd.s32 s21, s3  }
0x9d: {  	[timem:s7], [sflag:s22] =	dma.local [hbm:s5], s20  }
0x9e: {  	_ =	swait.ge [sflag:s22], s20  }
0x9f: {  	s4 =	ssub.s32 $0x0, s20;
	[sflag:s22] =	ssyncset.done $0x0  }
0xa0: {  	[sflag:s22] =	ssyncadd.s32 s4;
	_ =	sdelay $0x1  }
0xa1: {  	s23 =	simm.s32 $0x1B8B  }
0xa2: {  	_ =	swait.ge [sflag:s23], $0x1  }
0xa3: {  	[sflag:s23] =	ssyncset.done $0x0  }
0xa4: {  	s25 =	simm.s32 $0x1B8E;
	s24 =	sld [smem:$0x3FFE];
	[sflag:s23] =	ssyncadd.s32 $0xFFFFFFFF  }
0xa5: {  	s26 =	simm.s32 $execute0_lowered;
	[smem:$0x3FD2] =	sst s25  }
0xa6: {  	s5 =	sshll.u32 s26, $0x1;
	_ =	strace $0x80000046;
	[dreg:$0x1] =	wrdreg $0xFFFFFFFF  }
0xa7: {  	s28 =	simm.s32 $_size_execute0_lowered;
	s3 =	sadd.s32 s3, s5;
	[dreg:$0x0] =	wrdreg $0x0  }
0xa8: {  	s5 =	sshll.u32 s28, $0x1;
	[dreg:$0x2] =	wrdreg s3  }
0xa9: {  	[dreg:$0x3] =	wrdreg s5  }
0xaa: {  	[dreg:$0x4] =	wrdreg $0xC0  }
0xab: {  	_ =	task [dreg:s7], $0x5FFFF  }
0xac: {  	[dreg:$0x1] =	wrdreg $0xFFFFFFFF  }
0xad: {  	[dreg:$0x0] =	wrdreg $0x60  }
0xae: {  	[dreg:$0x2] =	wrdreg s2  }
0xaf: {  	[dreg:$0x3] =	wrdreg s24  }
0xb0: {  	[dreg:$0x4] =	wrdreg $0x0  }
0xb1: {  	[dreg:$0x5] =	wrdreg $0x9  }
0xb2: {  	_ =	task.clear_ibuf [dreg:s7], $0x6FFFF;
	_ =	strace $0x90000046  }
0xb3: {  	s29 =	simm.s32 $0x9;
	_ =	strace $0x80000048  }
0xb4: {  	_ =	swait.ge [sflag:s29], $0x1  }
0xb5: {  	[sflag:s29] =	ssyncadd.s32 $0xFFFFFFFF  }
0xb6: {  	_ =	strace $0x90000048  }
0xb7: {  	_ =	sfence  }
0xb8: {  	s30 =	sld [smem:$0x0];
	_ =	sdelay $0x2  }
0xb9: {  	s31 =	sshll.u32 s1, $0xD;
	s1 =	sshrl.u32 s1, $0x2  }
0xba: {  	s3 =	sand.u32 $0x4000, s31;
	s1 =	sadd.s32 s1, s30  }
0xbb: {  	s0 =	sor.u32 s3, s0;
	s1 =	sshll.u32 s1, $0x11  }
0xbc: {  	s0 =	sor.u32 s1, s0  }
0xbd: {  	s0 =	sadd.s32 $0x8F2B, s0  }
0xbe: {  	[sflag:s0] =	ssyncadd.remote.s32 $0x1  }
0xbf: {  	_ =	sfence.sel $0xFFFF  }
0xc0: {  	[dreg:$0x0] =	wrdreg $0xFFFFFFFF;
	(pc) =	sbr.abs _section_cstart, $3  }
0xc1: {  	[dreg:$0x1] =	wrdreg $0xFFFFFFFF  }
0xc2: {  	_ =	task.clear_ibuf [dreg:s7], $0x2FFFF;
	_ =	strace $0x9FFFFFFF  }
0xc3: {  	(tm) =	ssettm $0x7FFFFFFF  }
tec
execute0_lowered:
.L_overlay_start_1:
0x0: {  	(tag) =	ssettag $0x1  }
0x1: {  	s1 =	rddreg [dreg:$0x0]  }
0x2: {  	s0 =	rddreg [dreg:$0x1]  }
0x3: {  	s3 =	rddreg [dreg:$0x2];
	s4 =	simm.s32 $0x0  }
0x4: {  	s16 =	stileid.u32;
	s9 =	srdreg.scid;
	s30 =	simm.s32 $0x28  }
0x5: {  	s29 =	simm.s32 $0x2;
	s31 =	simm.s32 $0x3;
	[smem:$0x7FF] =	sst s4  }
0x6: {  	s2 =	smul.u32 $0x13800, s16;
	s5 =	sadd.s32 $0x15A00, s0;
	s8 =	sadd.s32 $0xBC00, s0  }
0x7: {  	s6 =	sadd.s32 $0x1E00, s0;
	s9 =	sand.u32 $0x1, s9;
	s11 =	sshll.u32 s16, $0x1  }
0x8: {  	s12 =	smul.u32 $0x4E000, s16;
	s13 =	sadd.s32 $0x2ADC00, s0;
	s17 =	sshll.u32 s16, $0x6  }
0x9: {  	s18 =	sadd.s32 $0x138000, s3;
	p0 =	sne.s32 s16, $0xF;
	_ =	strace $0x80000047  }
0xa: {  	s15 =	ssub.s32 $0x2, s9;
	s11 =	sor.u32 s9, s11;
	[dreg:$0x6] =	wrdreg s18  }
0xb: {  	s9 =	smul.u32 $0x138800, s9;
	s7 =	sshrl.u32 s2, $0x3;
	s14 =	sshrl.u32 s15, $0x1  }
0xc: {  	s12 =	sshrl.u32 s12, $0x2;
	s24 =	smul.u32 $0x13880, s11;
	s10 =	sadd.s32 s7, s0  }
0xd: {  	s14 =	ssub.s32 s15, s14;
	s7 =	smul.u32 $0x1388, s11;
	s12 =	sadd.s32 s12, s3  }
0xe: {  	s0 =	sadd.s32 $0x2ADA00, s0;
	s2 =	sadd.s32 s2, s9;
	s25 =	sshrl.u32 s9, $0x3  }
0xf: {  	s9 =	simm.s32 $0x0;
	[dreg:$0x4] =	wrdreg s12;
	s10 =	sadd.s32 $0x286A00, s10  }
0x10: {  	[dreg:$0x7] =	wrdreg s0;
	s26 =	sshrl.u32 s2, $0x3;
	s28 =	sadd.s32 s13, s25  }
0x11: {  	s25 =	simm.s32 $0x5;
	s2 =	simm.s32 $0x1;
	[dreg:$0x5] =	wrdreg s10  }
0x12: {  	s10 =	sor.u32 $0x1C05, s17;
	s12 =	sadd.s32 $0x27100, s7;
	s19 =	sshrl.u32 s7, $0x3  }
0x13: {  	s21 =	sadd.s32 $0x28, s7;
	s22 =	sadd.s32 $0x27128, s7;
	s17 =	sadd.s32 s8, s19  }
0x14: {  	s15 =	sshrl.u32 s12, $0x3;
	s0 =	sadd.s32 s6, s19;
	[dreg:$0x8] =	wrdreg s17  }
0x15: {  	s8 =	sadd.s32 s8, s15;
	[dreg:$0xa] =	wrdreg s0;
	s20 =	sadd.s32 s6, s15  }
0x16: {  	s0 =	sshrl.u32 s21, $0x3;
	s21 =	sadd.s32 s5, s24;
	[dreg:$0x9] =	wrdreg s8  }
0x17: {  	s24 =	smax.u32 s14, $0x1;
	[dreg:$0xb] =	wrdreg s20;
	s8 =	sshrl.u32 s22, $0x3  }
0x18: {  	s0 =	sadd.s32 s6, s0;
	s20 =	smul.u32 $0x7D, s11;
	s22 =	sadd.s32 s13, s26  }
0x19: {  	[dreg:$0xc] =	wrdreg s0;
	s23 =	sadd.s32 s6, s8;
	s0 =	simm.s32 $0x50  }
0x1a: {  	s8 =	simm.s32 $0x4;
	[dreg:$0xd] =	wrdreg s23;
	s23 =	sadd.s32 $0x27000, s28  }
.LBB2_1:
0x1b: {  	s11 =	rddreg [dreg:$0x4]  }
0x1c: {  	s13 =	rddreg [dreg:$0x5];
	s11 =	sshrl.u32 s11, $0x3  }
0x1d: {  	[spmem:s11], [sflag:s10] =	dma.local [hbm:s13], $0x2700  }
0x1e: {  	_ =	swait.ge [sflag:s25], $0x2700  }
0x1f: {  	[sflag:s25] =	ssyncset.done $0x0;
	s13 =	rddreg [dreg:$0x6]  }
0x20: {  	s14 =	rddreg [dreg:$0x7];
	[sflag:s25] =	ssyncadd.s32 $0xFFFFD900;
	s13 =	sshrl.u32 @!p0 s13, $0x3  }
0x21: {  	[spmem:s13], [sflag:s10] =	dma.local @!p0 [hbm:s14], $0x100  }
0x22: {  	s14 =	simm.s32 @!p0 $0x5  }
0x23: {  	_ =	swait.ge @!p0 [sflag:s14], $0x100  }
0x24: {  	[sflag:s14] =	ssyncset.done @!p0 $0x0  }
0x25: {  	s15 =	simm.s32 $0x13880;
	s19 =	rddreg [dreg:$0x8];
	[sflag:s14] =	ssyncadd.s32 @!p0 $0xFFFFFF00  }
0x26: {  	[tilespmem:s15], [sflag:$0x5] =	stream.linear.gather [hbm4b:s19+s4], $0x1388, $0x38;
	[tilespmem:$0x1D980] =	vst v63  }
0x27: {  	_ =	swait.ge [sflag:s25], $0x1388  }
0x28: {  	[sflag:s25] =	ssyncset.done $0x0  }
0x29: {  	s16 =	simm.s32 $0x14C80;
	s26 =	rddreg [dreg:$0x9];
	[sflag:s25] =	ssyncadd.s32 $0xFFFFEC78  }
0x2a: {  	[tilespmem:s16], [sflag:$0x5] =	stream.linear.gather [hbm4b:s26+s4], $0x1388, $0x38;
	[tilespmem:$0x1D980] =	vst v63  }
0x2b: {  	_ =	swait.ge [sflag:s25], $0x1388  }
0x2c: {  	[sflag:s25] =	ssyncset.done $0x0  }
0x2d: {  	[sflag:s25] =	ssyncadd.s32 $0xFFFFEC78  }
0x2e: {  	[bflag:$0x0] =	sbarrier.arrive $0xFFFF  }
0x2f: {  	s17 =	simm.s32 $0x16080;
	s28 =	rddreg [dreg:$0xa]  }
0x30: {  	[tilespmem:s17], [sflag:$0x1] =	stream.linear.gather [hbm4b:s28+s4], $0x28, $0x38;
	[tilespmem:$0x1D980] =	vst v63  }
0x31: {  	s19 =	simm.s32 $0x160A8;
	s18 =	rddreg [dreg:$0xb]  }
0x32: {  	[tilespmem:s19], [sflag:$0x1] =	stream.linear.gather [hbm4b:s18+s4], $0x28, $0x38;
	[tilespmem:$0x1D980] =	vst v63  }
0x33: {  	s26 =	rddreg [dreg:$0xc];
	s28 =	simm.s32 $0x16100  }
0x34: {  	[tilespmem:s28], [sflag:$0x1] =	stream.linear.gather [hbm4b:s26+s4], $0x28, $0x38;
	[tilespmem:$0x1D980] =	vst v63  }
0x35: {  	s17 =	rddreg [dreg:$0xd];
	s18 =	simm.s32 $0x16128  }
0x36: {  	[tilespmem:s18], [sflag:$0x1] =	stream.linear.gather [hbm4b:s17+s4], $0x28, $0x38;
	[tilespmem:$0x1D980] =	vst v63  }
0x37: {  	_ =	swait.ge [sflag:s2], $0x50  }
0x38: {  	[sflag:s2] =	ssyncset.done $0x0  }
0x39: {  	[sflag:s2] =	ssyncadd.s32 $0xFFFFFFB0  }
0x3a: {  	_ =	swait.ge [sflag:s2], $0x50  }
0x3b: {  	[sflag:s2] =	ssyncset.done $0x0  }
0x3c: {  	s19 =	simm.s32 $0x16180;
	[sflag:s2] =	ssyncadd.s32 $0xFFFFFFB0  }
0x3d: {  	[tilespmem:s19], [sflag:$0x2] =	stream.linear.gather [hbm4b:s21+s4], $0x1400, $0x38;
	[tilespmem:$0x1D980] =	vst v63  }
0x3e: {  	s26 =	simm.s32 $0x18980  }
0x3f: {  	[tilespmem:s26], [sflag:$0x3] =	stream.indirect.gather [hbm4b:s1+s30], $0x80, s15, s30, $0xb8;
	[tilespmem:$0x1D980] =	vst v63  }
0x40: {  	s14 =	simm.s32 $0x0;
	s28 =	simm.s32 $0x19D80  }
0x41: {  	[tilespmem:s28], [sflag:$0x3] =	stream.indirect.gather [hbm4b:s1+s30], $0x80, s16, s30, $0xb8;
	[tilespmem:$0x1D980] =	vst v63  }
.LBB2_2:
0x42: {  	p1 =	seq.s32 s14, $0x0  }
.Ltmp0:
0x43: {  	_ = 	snop;
	(pc) =	sbr.rel @p1 .LBB2_3-.Ltmp0, $2  }
0x44: {  	_ =	sdelay $0x2  }
0x45: {  	s15 =	sand.u32 $0x1, s14  }
0x46: {  	p1 =	seq.s32 s14, $0x7C  }
.Ltmp1:
0x47: {  	_ = 	snop;
	(pc) =	sbr.rel @p1 .LBB2_7-.Ltmp1, $4  }
0x48: {  	_ = 	snop  }
0x49: {  	_ =	swait.ge [sflag:s8], $0x2800  }
0x4a: {  	[sflag:s8] =	ssyncset.done $0x0  }
0x4b: {  	s16 =	simm.s32 $0x7D;
	[sflag:s8] =	ssyncadd.s32 $0xFFFFD800  }
0x4c: {  	s16 =	sadd.s32 $0x1, s14  }
0x4d: {  	s17 =	smul.u32 $0x28, s16;
	_ =	sdelay $0x1  }
0x4e: {  	s19 =	sshll.u32 s15, $0x7;
	s18 =	sadd.s32 s7, s17  }
.Ltmp2:
0x4f: {  	s17 =	sadd.s32 s12, s17;
	s18 =	sshrl.u32 s18, $0x3;
	(pc) =	sbr.rel .LBB2_6-.Ltmp2, $4  }
0x50: {  	s26 =	ssub.s32 $0x16100, s19;
	s17 =	sshrl.u32 s17, $0x3;
	s18 =	sadd.s32 s6, s18  }
0x51: {  	[tilespmem:s26], [sflag:$0x1] =	stream.linear.gather [hbm4b:s18+s4], $0x28, $0x38;
	[tilespmem:$0x1D980] =	vst v63  }
0x52: {  	s28 =	ssub.s32 $0x16128, s19;
	s17 =	sadd.s32 s6, s17  }
0x53: {  	[tilespmem:s28], [sflag:$0x1] =	stream.linear.gather [hbm4b:s17+s4], $0x28, $0x38;
	[tilespmem:$0x1D980] =	vst v63  }
.LBB2_3:
0x54: {  	s16 =	simm.s32 $0x1  }
.LBB2_6:
0x55: {  	s17 =	sxor.u32 $0x1, s15  }
0x56: {  	s18 =	sadd.s32 s20, s16;
	s19 =	smul.u32 $0x5000, s17  }
0x57: {  	s18 =	smul.u32 $0x280, s18  }
0x58: {  	s19 =	sshrl.u32 s19, $0x2  }
0x59: {  	s17 =	smul.u32 $0xA000, s17;
	s18 =	sadd.s32 s5, s18;
	s19 =	sor.u32 $0x16180, s19  }
0x5a: {  	[tilespmem:s19], [sflag:$0x2] =	stream.linear.gather [hbm4b:s18+s4], $0x1400, $0x38;
	[tilespmem:$0x1D980] =	vst v63  }
0x5b: {  	s18 =	smul.u32 $0x28, s16  }
0x5c: {  	s17 =	sshrl.u32 s17, $0x2  }
0x5d: {  	s28 =	sadd.s32 $0x18980, s17;
	s26 =	sadd.s32 $0x13880, s18  }
0x5e: {  	[tilespmem:s28], [sflag:$0x3] =	stream.indirect.gather [hbm4b:s1+s30], $0x80, s26, s30, $0xb8;
	[tilespmem:$0x1D980] =	vst v63  }
0x5f: {  	s17 =	sadd.s32 $0x19D80, s17;
	s18 =	sadd.s32 $0x14C80, s18  }
0x60: {  	[tilespmem:s17], [sflag:$0x3] =	stream.indirect.gather [hbm4b:s1+s30], $0x80, s18, s30, $0xb8;
	[tilespmem:$0x1D980] =	vst v63  }
.LBB2_7:
0x61: {  	_ =	swait.ge [sflag:s29], $0x1400  }
0x62: {  	[sflag:s29] =	ssyncset.done $0x0  }
0x63: {  	[sflag:s29] =	ssyncadd.s32 $0xFFFFEC00  }
0x64: {  	_ =	swait.ge [sflag:s31], $0x1400  }
0x65: {  	[sflag:s31] =	ssyncset.done $0x0  }
0x66: {  	s17 =	smul.u32 $0x5000, s15;
	[sflag:s31] =	ssyncadd.s32 $0xFFFFEC00  }
0x67: {  	s18 =	smul.u32 $0xA000, s15;
	_ =	swait.ge [sflag:s31], $0x1400  }
0x68: {  	s17 =	sshrl.u32 s17, $0x2;
	[sflag:s31] =	ssyncset.done $0x0  }
0x69: {  	s18 =	sshrl.u32 s18, $0x2;
	s19 =	sor.u32 $0x16280, s17;
	[sflag:s31] =	ssyncadd.s32 $0xFFFFEC00  }
0x6a: {  	s17 =	sadd.s32 $0x19F70, s18;
	v0 =	vld [tilespmem:s19+$0x80]  }
0x6b: {  	v1 =	vld [tilespmem:s17+$0xFFFFEB90]  }
0x6c: {  	v2 =	vld [tilespmem:s17+$0xFFFFFF90]  }
0x6d: {  	v3 =	vld [tilespmem:s19+$0xFFFFFF80]  }
0x6e: {  	v4 =	vld [tilespmem:s19+$0xFFFFFF00]  }
0x6f: {  	v6 =	vld [tilespmem:s17+$0xFFFFEA10];
	v5 =	vshll.u32 v0, $0x10  }
0x70: {  	v7 =	vld [tilespmem:s19+$0x0];
	v0 =	vand.u32 $0xFFFF0000, v0;
	v1 =	vadd.f32 v5, v1  }
0x71: {  	v5 =	vld [tilespmem:s17+$0xFFFFFE10];
	v0 =	vadd.f32 v0, v2  }
0x72: {  	v2 =	vld [tilespmem:s17+$0xFFFFEA90];
	v1 =	vmax.f32 v1, $0.0e+00  }
0x73: {  	v8 =	vld [tilespmem:s17+$0xFFFFFE90];
	v0 =	vmax.f32 v0, $0.0e+00;
	[tilespmem:s17+$0xFFFFEB90] =	vst v1  }
0x74: {  	v9 =	vld [tilespmem:s17+$0xFFFFEB10];
	v1 =	vshll.u32 v4, $0x10;
	[tilespmem:s17+$0xFFFFFF90] =	vst v0  }
0x75: {  	v4 =	vand.u32 $0xFFFF0000, v4;
	v0 =	vadd.f32 v1, v6;
	v1 =	vld [tilespmem:s19+$0x90]  }
0x76: {  	v6 =	vld [tilespmem:s17+$0xFFFFEBA0];
	v4 =	vadd.f32 v4, v5;
	v5 =	vshll.u32 v3, $0x10  }
0x77: {  	v3 =	vand.u32 $0xFFFF0000, v3;
	v0 =	vmax.f32 v0, $0.0e+00;
	v2 =	vadd.f32 v5, v2;
	v5 =	vld [tilespmem:s17+$0xFFFFFFA0]  }
0x78: {  	v10 =	vld [tilespmem:s17+$0xFFFFFE20];
	v3 =	vadd.f32 v3, v8;
	[tilespmem:s17+$0xFFFFEA10] =	vst v0;
	v0 =	vmax.f32 v4, $0.0e+00  }
0x79: {  	v4 =	vld [tilespmem:s17+$0xFFFFFF10];
	[tilespmem:s17+$0xFFFFFE10] =	vst v0;
	v0 =	vshll.u32 v7, $0x10;
	v2 =	vmax.f32 v2, $0.0e+00  }
0x7a: {  	v0 =	vadd.f32 v0, v9;
	v9 =	vld [tilespmem:s19+$0xFFFFFF10];
	[tilespmem:s17+$0xFFFFEA90] =	vst v2;
	v2 =	vmax.f32 v3, $0.0e+00;
	v3 =	vshll.u32 v1, $0x10  }
0x7b: {  	v8 =	vld [tilespmem:s17+$0xFFFFEA20];
	v1 =	vand.u32 $0xFFFF0000, v1;
	[tilespmem:s17+$0xFFFFFE90] =	vst v2;
	v2 =	vadd.f32 v3, v6  }
0x7c: {  	v0 =	vmax.f32 v0, $0.0e+00;
	v3 =	vld [tilespmem:s19+$0xFFFFFF90];
	v1 =	vadd.f32 v1, v5  }
0x7d: {  	[tilespmem:s17+$0xFFFFEB10] =	vst v0;
	v0 =	vld [tilespmem:s17+$0xFFFFEAA0];
	v2 =	vmax.f32 v2, $0.0e+00  }
0x7e: {  	v6 =	vld [tilespmem:s17+$0xFFFFFEA0];
	v5 =	vand.u32 $0xFFFF0000, v7;
	[tilespmem:s17+$0xFFFFEBA0] =	vst v2;
	v1 =	vmax.f32 v1, $0.0e+00  }
0x7f: {  	v2 =	vadd.f32 v5, v4;
	v5 =	vld [tilespmem:s17+$0xFFFFEB20];
	v4 =	vshll.u32 v9, $0x10;
	[tilespmem:s17+$0xFFFFFFA0] =	vst v1  }
0x80: {  	v1 =	vand.u32 $0xFFFF0000, v9;
	v4 =	vadd.f32 v4, v8;
	v7 =	vld [tilespmem:s19+$0xA0]  }
0x81: {  	v9 =	vld [tilespmem:s17+$0xFFFFEBB0];
	v2 =	vmax.f32 v2, $0.0e+00;
	v1 =	vadd.f32 v1, v10;
	v8 =	vshll.u32 v3, $0x10  }
0x82: {  	[tilespmem:s17+$0xFFFFFF10] =	vst v2;
	v2 =	vand.u32 $0xFFFF0000, v3;
	v3 =	vmax.f32 v4, $0.0e+00;
	v0 =	vadd.f32 v8, v0;
	v4 =	vld [tilespmem:s17+$0xFFFFFFB0]  }
0x83: {  	v1 =	vmax.f32 v1, $0.0e+00;
	v2 =	vadd.f32 v2, v6;
	[tilespmem:s17+$0xFFFFEA20] =	vst v3;
	v3 =	vld [tilespmem:s19+$0x10]  }
0x84: {  	v8 =	vld [tilespmem:s17+$0xFFFFEA30];
	[tilespmem:s17+$0xFFFFFE20] =	vst v1;
	v0 =	vmax.f32 v0, $0.0e+00  }
0x85: {  	v1 =	vld [tilespmem:s17+$0xFFFFFF20];
	[tilespmem:s17+$0xFFFFEAA0] =	vst v0;
	v0 =	vmax.f32 v2, $0.0e+00;
	v2 =	vshll.u32 v7, $0x10  }
0x86: {  	v6 =	vld [tilespmem:s19+$0xFFFFFF20];
	[tilespmem:s17+$0xFFFFFEA0] =	vst v0;
	v0 =	vand.u32 $0xFFFF0000, v7;
	v2 =	vadd.f32 v2, v9  }
0x87: {  	v7 =	vld [tilespmem:s19+$0xFFFFFFA0];
	v0 =	vadd.f32 v0, v4  }
0x88: {  	v4 =	vld [tilespmem:s17+$0xFFFFFE30];
	v9 =	vshll.u32 v3, $0x10;
	v2 =	vmax.f32 v2, $0.0e+00  }
0x89: {  	v10 =	vld [tilespmem:s17+$0xFFFFEAB0];
	v3 =	vand.u32 $0xFFFF0000, v3;
	v5 =	vadd.f32 v9, v5;
	[tilespmem:s17+$0xFFFFEBB0] =	vst v2;
	v0 =	vmax.f32 v0, $0.0e+00  }
0x8a: {  	v1 =	vadd.f32 v3, v1;
	v2 =	vld [tilespmem:s17+$0xFFFFFEB0];
	[tilespmem:s17+$0xFFFFFFB0] =	vst v0  }
0x8b: {  	v0 =	vshll.u32 v6, $0x10;
	v3 =	vmax.f32 v5, $0.0e+00;
	v5 =	vld [tilespmem:s19+$0xB0]  }
0x8c: {  	v6 =	vand.u32 $0xFFFF0000, v6;
	v0 =	vadd.f32 v0, v8;
	v1 =	vmax.f32 v1, $0.0e+00;
	[tilespmem:s17+$0xFFFFEB20] =	vst v3;
	v3 =	vld [tilespmem:s17+$0xFFFFEBC0]  }
0x8d: {  	v8 =	vshll.u32 v7, $0x10;
	v4 =	vadd.f32 v6, v4;
	[tilespmem:s17+$0xFFFFFF20] =	vst v1;
	v1 =	vld [tilespmem:s17+$0xFFFFFFC0]  }
0x8e: {  	v6 =	vand.u32 $0xFFFF0000, v7;
	v0 =	vmax.f32 v0, $0.0e+00;
	v7 =	vadd.f32 v8, v10;
	v8 =	vld [tilespmem:s19+$0x20]  }
0x8f: {  	[tilespmem:s17+$0xFFFFEA30] =	vst v0;
	v0 =	vmax.f32 v4, $0.0e+00;
	v2 =	vadd.f32 v6, v2;
	v4 =	vld [tilespmem:s17+$0xFFFFEB30]  }
0x90: {  	v6 =	vld [tilespmem:s17+$0xFFFFFF30];
	[tilespmem:s17+$0xFFFFFE30] =	vst v0;
	v0 =	vmax.f32 v7, $0.0e+00;
	v7 =	vshll.u32 v5, $0x10  }
0x91: {  	v9 =	vld [tilespmem:s19+$0xFFFFFF30];
	[tilespmem:s17+$0xFFFFEAB0] =	vst v0;
	v0 =	vmax.f32 v2, $0.0e+00;
	v2 =	vand.u32 $0xFFFF0000, v5;
	v3 =	vadd.f32 v7, v3  }
0x92: {  	v5 =	vld [tilespmem:s17+$0xFFFFEA40];
	[tilespmem:s17+$0xFFFFFEB0] =	vst v0;
	v0 =	vadd.f32 v2, v1  }
0x93: {  	v1 =	vld [tilespmem:s19+$0xFFFFFFB0];
	v2 =	vshll.u32 v8, $0x10;
	v3 =	vmax.f32 v3, $0.0e+00  }
0x94: {  	v7 =	vand.u32 $0xFFFF0000, v8;
	v8 =	vld [tilespmem:s17+$0xFFFFFE40];
	v2 =	vadd.f32 v2, v4;
	v0 =	vmax.f32 v0, $0.0e+00;
	[tilespmem:s17+$0xFFFFEBC0] =	vst v3  }
0x95: {  	v4 =	vadd.f32 v7, v6;
	v3 =	vld [tilespmem:s17+$0xFFFFEAC0];
	[tilespmem:s17+$0xFFFFFFC0] =	vst v0  }
0x96: {  	v0 =	vmax.f32 v2, $0.0e+00;
	v2 =	vld [tilespmem:s19+$0xC0]  }
0x97: {  	v6 =	vshll.u32 v9, $0x10;
	[tilespmem:s17+$0xFFFFEB30] =	vst v0;
	v0 =	vmax.f32 v4, $0.0e+00;
	v4 =	vld [tilespmem:s17+$0xFFFFEBD0]  }
0x98: {  	v7 =	vand.u32 $0xFFFF0000, v9;
	v5 =	vadd.f32 v6, v5;
	[tilespmem:s17+$0xFFFFFF30] =	vst v0;
	v0 =	vld [tilespmem:s17+$0xFFFFFFD0]  }
0x99: {  	v9 =	vld [tilespmem:s17+$0xFFFFFEC0];
	v6 =	vadd.f32 v7, v8  }
0x9a: {  	v8 =	vshll.u32 v1, $0x10;
	v7 =	vld [tilespmem:s19+$0x30];
	v5 =	vmax.f32 v5, $0.0e+00  }
0x9b: {  	[tilespmem:s17+$0xFFFFEA40] =	vst v5;
	v3 =	vadd.f32 v8, v3;
	v5 =	vmax.f32 v6, $0.0e+00;
	v6 =	vld [tilespmem:s17+$0xFFFFEB40];
	v8 =	vshll.u32 v2, $0x10  }
0x9c: {  	[tilespmem:s17+$0xFFFFFE40] =	vst v5;
	v5 =	vld [tilespmem:s17+$0xFFFFFF40];
	v2 =	vand.u32 $0xFFFF0000, v2;
	v4 =	vadd.f32 v8, v4  }
0x9d: {  	v10 =	vld [tilespmem:s17+$0xFFFFFE50];
	v3 =	vmax.f32 v3, $0.0e+00;
	v0 =	vadd.f32 v2, v0  }
0x9e: {  	v1 =	vand.u32 $0xFFFF0000, v1;
	v8 =	vld [tilespmem:s19+$0xFFFFFF40];
	[tilespmem:s17+$0xFFFFEAC0] =	vst v3;
	v3 =	vmax.f32 v4, $0.0e+00  }
0x9f: {  	v1 =	vadd.f32 v1, v9;
	v2 =	vld [tilespmem:s17+$0xFFFFEA50];
	v4 =	vshll.u32 v7, $0x10;
	[tilespmem:s17+$0xFFFFEBD0] =	vst v3;
	v0 =	vmax.f32 v0, $0.0e+00  }
0xa0: {  	v3 =	vand.u32 $0xFFFF0000, v7;
	v7 =	vld [tilespmem:s17+$0xFFFFEAD0];
	v4 =	vadd.f32 v4, v6;
	[tilespmem:s17+$0xFFFFFFD0] =	vst v0  }
0xa1: {  	v0 =	vmax.f32 v1, $0.0e+00;
	v1 =	vadd.f32 v3, v5;
	v3 =	vld [tilespmem:s19+$0xD0]  }
0xa2: {  	[tilespmem:s17+$0xFFFFFEC0] =	vst v0;
	v0 =	vmax.f32 v4, $0.0e+00;
	v4 =	vld [tilespmem:s17+$0xFFFFEBE0]  }
0xa3: {  	v5 =	vshll.u32 v8, $0x10;
	v6 =	vand.u32 $0xFFFF0000, v8;
	v8 =	vld [tilespmem:s17+$0xFFFFFED0]  }
0xa4: {  	[tilespmem:s17+$0xFFFFEB40] =	vst v0;
	v0 =	vmax.f32 v1, $0.0e+00;
	v1 =	vld [tilespmem:s17+$0xFFFFFFE0]  }
0xa5: {  	v2 =	vadd.f32 v5, v2;
	v5 =	vld [tilespmem:s19+$0xFFFFFFC0]  }
0xa6: {  	[tilespmem:s17+$0xFFFFFF40] =	vst v0;
	v0 =	vadd.f32 v6, v10;
	v10 =	vld [tilespmem:s17+$0xFFFFEA60]  }
0xa7: {  	v6 =	vld [tilespmem:s19+$0x40];
	v2 =	vmax.f32 v2, $0.0e+00;
	v9 =	vshll.u32 v3, $0x10  }
0xa8: {  	[tilespmem:s17+$0xFFFFEA50] =	vst v2;
	v0 =	vmax.f32 v0, $0.0e+00;
	v2 =	vld [tilespmem:s17+$0xFFFFEB50];
	v3 =	vand.u32 $0xFFFF0000, v3;
	v4 =	vadd.f32 v9, v4  }
0xa9: {  	[tilespmem:s17+$0xFFFFFE50] =	vst v0;
	v0 =	vld [tilespmem:s17+$0xFFFFFF50];
	v1 =	vadd.f32 v3, v1  }
0xaa: {  	v3 =	vld [tilespmem:s19+$0xFFFFFF50];
	v9 =	vshll.u32 v5, $0x10;
	v5 =	vand.u32 $0xFFFF0000, v5;
	v4 =	vmax.f32 v4, $0.0e+00  }
0xab: {  	v5 =	vadd.f32 v5, v8;
	v1 =	vmax.f32 v1, $0.0e+00;
	[tilespmem:s17+$0xFFFFEBE0] =	vst v4;
	v4 =	vadd.f32 v9, v7;
	v7 =	vld [tilespmem:s17+$0xFFFFFE60]  }
0xac: {  	[tilespmem:s17+$0xFFFFFFE0] =	vst v1;
	v1 =	vshll.u32 v6, $0x10;
	v9 =	vld [tilespmem:s17+$0xFFFFEAE0]  }
0xad: {  	v6 =	vand.u32 $0xFFFF0000, v6;
	v8 =	vld [tilespmem:s19+$0xE0];
	v1 =	vadd.f32 v1, v2;
	v2 =	vmax.f32 v5, $0.0e+00  }
0xae: {  	v5 =	vld [tilespmem:s17+$0xFFFFEBF0];
	v0 =	vadd.f32 v6, v0;
	v4 =	vmax.f32 v4, $0.0e+00;
	[tilespmem:s17+$0xFFFFFED0] =	vst v2  }
0xaf: {  	[tilespmem:s17+$0xFFFFEAD0] =	vst v4;
	v4 =	vld [tilespmem:s17+$0xFFFFFFF0];
	v1 =	vmax.f32 v1, $0.0e+00  }
0xb0: {  	v6 =	vshll.u32 v3, $0x10;
	v0 =	vmax.f32 v0, $0.0e+00;
	v2 =	vld [tilespmem:s19+$0xFFFFFFD0];
	[tilespmem:s17+$0xFFFFEB50] =	vst v1  }
0xb1: {  	v1 =	vand.u32 $0xFFFF0000, v3;
	v3 =	vadd.f32 v6, v10;
	v6 =	vld [tilespmem:s17+$0xFFFFFEE0];
	[tilespmem:s17+$0xFFFFFF50] =	vst v0  }
0xb2: {  	v0 =	vadd.f32 v1, v7;
	v7 =	vld [tilespmem:s19+$0x50];
	v1 =	vshll.u32 v8, $0x10  }
0xb3: {  	v3 =	vmax.f32 v3, $0.0e+00;
	v8 =	vand.u32 $0xFFFF0000, v8;
	v1 =	vadd.f32 v1, v5;
	v5 =	vld [tilespmem:s17+$0xFFFFEB60]  }
0xb4: {  	[tilespmem:s17+$0xFFFFEA60] =	vst v3;
	v0 =	vmax.f32 v0, $0.0e+00;
	v3 =	vadd.f32 v8, v4;
	v4 =	vld [tilespmem:s17+$0xFFFFFF60]  }
0xb5: {  	v11 =	vld [tilespmem:s17+$0xFFFFFE80];
	[tilespmem:s17+$0xFFFFFE60] =	vst v0;
	v8 =	vshll.u32 v2, $0x10;
	v0 =	vmax.f32 v1, $0.0e+00  }
0xb6: {  	v1 =	vand.u32 $0xFFFF0000, v2;
	v2 =	vadd.f32 v8, v9;
	v8 =	vld [tilespmem:s19+$0xFFFFFF60];
	[tilespmem:s17+$0xFFFFEBF0] =	vst v0;
	v0 =	vmax.f32 v3, $0.0e+00  }
0xb7: {  	v1 =	vadd.f32 v1, v6;
	v3 =	vld [tilespmem:s17+$0xFFFFEA70];
	[tilespmem:s17+$0xFFFFFFF0] =	vst v0;
	v0 =	vshll.u32 v7, $0x10  }
0xb8: {  	v6 =	vand.u32 $0xFFFF0000, v7;
	v7 =	vld [tilespmem:s17+$0xFFFFFF70];
	v2 =	vmax.f32 v2, $0.0e+00;
	v0 =	vadd.f32 v0, v5  }
0xb9: {  	v1 =	vmax.f32 v1, $0.0e+00;
	[tilespmem:s17+$0xFFFFEAE0] =	vst v2;
	v2 =	vld [tilespmem:s17+$0xFFFFFE70];
	v4 =	vadd.f32 v6, v4  }
0xba: {  	[tilespmem:s17+$0xFFFFFEE0] =	vst v1;
	v1 =	vld [tilespmem:s17+$0xFFFFEAF0];
	v0 =	vmax.f32 v0, $0.0e+00  }
0xbb: {  	v6 =	vld [tilespmem:s19+$0xFFFFFFE0];
	[tilespmem:s17+$0xFFFFEB60] =	vst v0;
	v0 =	vmax.f32 v4, $0.0e+00  }
0xbc: {  	v5 =	vshll.u32 v8, $0x10;
	v4 =	vld [tilespmem:s17+$0xFFFFFEF0];
	[tilespmem:s17+$0xFFFFFF60] =	vst v0  }
0xbd: {  	v3 =	vadd.f32 v5, v3;
	v0 =	vand.u32 $0xFFFF0000, v8;
	v5 =	vld [tilespmem:s19+$0x60]  }
0xbe: {  	v0 =	vadd.f32 v0, v2;
	v2 =	vld [tilespmem:s17+$0xFFFFEB70]  }
0xbf: {  	v9 =	vld [tilespmem:s19+$0xF0];
	v3 =	vmax.f32 v3, $0.0e+00  }
0xc0: {  	v10 =	vld [tilespmem:s17+$0x0];
	[tilespmem:s17+$0xFFFFEA70] =	vst v3;
	v3 =	vshll.u32 v6, $0x10;
	v0 =	vmax.f32 v0, $0.0e+00  }
0xc1: {  	v8 =	vld [tilespmem:s17+$0xFFFFEA80];
	[tilespmem:s17+$0xFFFFFE70] =	vst v0;
	v0 =	vadd.f32 v3, v1;
	v1 =	vand.u32 $0xFFFF0000, v6  }
0xc2: {  	v3 =	vadd.f32 v1, v4;
	v4 =	vshll.u32 v5, $0x10;
	v12 =	vld [tilespmem:s19+$0xFFFFFF70]  }
0xc3: {  	v1 =	vld [tilespmem:s17+$0xFFFFEB00];
	v5 =	vand.u32 $0xFFFF0000, v5;
	v0 =	vmax.f32 v0, $0.0e+00;
	v2 =	vadd.f32 v4, v2  }
0xc4: {  	v4 =	vadd.f32 v5, v7;
	v5 =	vand.u32 $0xFFFF0000, v9;
	[tilespmem:s17+$0xFFFFEAF0] =	vst v0;
	v0 =	vmax.f32 v3, $0.0e+00;
	v3 =	vld [tilespmem:s17+$0xFFFFFF00]  }
0xc5: {  	v5 =	vadd.f32 v5, v10;
	[tilespmem:s17+$0xFFFFFEF0] =	vst v0;
	v0 =	vmax.f32 v2, $0.0e+00;
	v2 =	vld [tilespmem:s17+$0xFFFFEB80]  }
0xc6: {  	[tilespmem:s17+$0xFFFFEB70] =	vst v0;
	v0 =	vmax.f32 v4, $0.0e+00;
	v6 =	vld [tilespmem:s19+$0xFFFFFFF0]  }
0xc7: {  	v4 =	vld [tilespmem:s17+$0xFFFFFF80];
	[tilespmem:s17+$0xFFFFFF70] =	vst v0;
	v0 =	vmax.f32 v5, $0.0e+00;
	v5 =	vshll.u32 v12, $0x10;
	v10 =	vand.u32 $0xFFFF0000, v12  }
0xc8: {  	s26 =	sadd.s32 $0x18980, s18;
	[tilespmem:s17+$0x0] =	vst v0;
	v7 =	vld [tilespmem:s19+$0x70];
	v0 =	vshll.u32 v9, $0x10;
	v9 =	vadd.f32 v5, v8;
	v8 =	vadd.f32 v10, v11  }
0xc9: {  	s18 =	simm.s32 $0x0;
	s28 =	smov.u32 s17;
	v5 =	vld [tilespmem:s17+$0xFFFFEC00];
	s19 =	sadd.s32 $0x200, s19  }
.LBB2_8:
0xca: {  	v10 =	vld [tilespmem:s19+$0x80];
	v9 =	vmax.f32 v9, $0.0e+00;
	v8 =	vmax.f32 v8, $0.0e+00;
	s17 =	sadd.s32 $0x200, s17  }
0xcb: {  	v11 =	vld [tilespmem:s17+$0xFFFFEB90];
	[tilespmem:s28+$0xFFFFEA80] =	vst v9;
	v9 =	vshll.u32 v6, $0x10;
	v6 =	vand.u32 $0xFFFF0000, v6  }
0xcc: {  	v12 =	vld [tilespmem:s17+$0xFFFFFF90];
	[tilespmem:s28+$0xFFFFFE80] =	vst v8;
	v1 =	vadd.f32 v9, v1;
	v3 =	vadd.f32 v6, v3  }
0xcd: {  	v6 =	vld [tilespmem:s19+$0xFFFFFF80];
	v8 =	vshll.u32 v7, $0x10;
	v7 =	vand.u32 $0xFFFF0000, v7  }
0xce: {  	v9 =	vld [tilespmem:s19+$0x0];
	v1 =	vmax.f32 v1, $0.0e+00;
	v2 =	vadd.f32 v8, v2;
	v4 =	vadd.f32 v7, v4  }
0xcf: {  	v0 =	vadd.f32 v0, v5;
	v7 =	vld [tilespmem:s19+$0xFFFFFF00];
	v8 =	vshll.u32 v10, $0x10;
	[tilespmem:s28+$0xFFFFEB00] =	vst v1;
	v1 =	vmax.f32 v3, $0.0e+00  }
0xd0: {  	v5 =	vand.u32 $0xFFFF0000, v10;
	v3 =	vld [tilespmem:s17+$0xFFFFEA10];
	v8 =	vadd.f32 v8, v11;
	[tilespmem:s28+$0xFFFFFF00] =	vst v1;
	v1 =	vmax.f32 v2, $0.0e+00  }
0xd1: {  	s18 =	sadd.s32 $0x4, s18;
	v0 =	vmax.f32 v0, $0.0e+00;
	v2 =	vld [tilespmem:s17+$0xFFFFFE10];
	v5 =	vadd.f32 v5, v12;
	[tilespmem:s28+$0xFFFFEB80] =	vst v1;
	v1 =	vmax.f32 v4, $0.0e+00  }
0xd2: {  	p1 =	slt.u32 s18, $0x24;
	v4 =	vshll.u32 v6, $0x10;
	v6 =	vand.u32 $0xFFFF0000, v6;
	v10 =	vld [tilespmem:s17+$0xFFFFEA90];
	v8 =	vmax.f32 v8, $0.0e+00;
	[tilespmem:s28+$0xFFFFFF80] =	vst v1  }
0xd3: {  	v1 =	vld [tilespmem:s17+$0xFFFFFE90];
	v11 =	vshll.u32 v9, $0x10;
	v9 =	vand.u32 $0xFFFF0000, v9;
	[tilespmem:s17+$0xFFFFEB90] =	vst v8;
	v5 =	vmax.f32 v5, $0.0e+00  }
0xd4: {  	v8 =	vshll.u32 v7, $0x10;
	v7 =	vand.u32 $0xFFFF0000, v7;
	v12 =	vld [tilespmem:s17+$0xFFFFEB10];
	[tilespmem:s17+$0xFFFFFF90] =	vst v5  }
0xd5: {  	v3 =	vadd.f32 v8, v3;
	v5 =	vld [tilespmem:s19+$0x90];
	[tilespmem:s28+$0xFFFFEC00] =	vst v0;
	s28 =	smov.u32 s17  }
0xd6: {  	v0 =	vadd.f32 v7, v2;
	v2 =	vld [tilespmem:s17+$0xFFFFEBA0]  }
0xd7: {  	v3 =	vmax.f32 v3, $0.0e+00;
	v4 =	vadd.f32 v4, v10;
	v7 =	vld [tilespmem:s17+$0xFFFFFFA0]  }
0xd8: {  	[tilespmem:s17+$0xFFFFEA10] =	vst v3;
	v0 =	vmax.f32 v0, $0.0e+00;
	v1 =	vadd.f32 v6, v1;
	v3 =	vld [tilespmem:s17+$0xFFFFFF10]  }
0xd9: {  	[tilespmem:s17+$0xFFFFFE10] =	vst v0;
	v0 =	vld [tilespmem:s17+$0xFFFFEA20];
	v4 =	vmax.f32 v4, $0.0e+00;
	v6 =	vadd.f32 v11, v12  }
0xda: {  	v8 =	vld [tilespmem:s19+$0xFFFFFF10];
	[tilespmem:s17+$0xFFFFEA90] =	vst v4;
	v1 =	vmax.f32 v1, $0.0e+00;
	v4 =	vshll.u32 v5, $0x10  }
0xdb: {  	v5 =	vand.u32 $0xFFFF0000, v5;
	v10 =	vld [tilespmem:s17+$0xFFFFFE20];
	[tilespmem:s17+$0xFFFFFE90] =	vst v1;
	v1 =	vmax.f32 v6, $0.0e+00;
	v2 =	vadd.f32 v4, v2  }
0xdc: {  	v4 =	vld [tilespmem:s19+$0xFFFFFF90];
	[tilespmem:s17+$0xFFFFEB10] =	vst v1;
	v1 =	vadd.f32 v5, v7  }
0xdd: {  	v5 =	vld [tilespmem:s17+$0xFFFFEAA0];
	v3 =	vadd.f32 v9, v3;
	v2 =	vmax.f32 v2, $0.0e+00  }
0xde: {  	v6 =	vld [tilespmem:s17+$0xFFFFFEA0];
	[tilespmem:s17+$0xFFFFEBA0] =	vst v2;
	v1 =	vmax.f32 v1, $0.0e+00  }
0xdf: {  	v2 =	vshll.u32 v8, $0x10;
	v7 =	vand.u32 $0xFFFF0000, v8;
	v3 =	vmax.f32 v3, $0.0e+00;
	v8 =	vld [tilespmem:s17+$0xFFFFEB20];
	[tilespmem:s17+$0xFFFFFFA0] =	vst v1  }
0xe0: {  	v0 =	vadd.f32 v2, v0;
	v1 =	vadd.f32 v7, v10;
	[tilespmem:s17+$0xFFFFFF10] =	vst v3;
	v2 =	vld [tilespmem:s19+$0xA0]  }
0xe1: {  	v3 =	vshll.u32 v4, $0x10;
	v4 =	vand.u32 $0xFFFF0000, v4;
	v7 =	vld [tilespmem:s17+$0xFFFFEBB0]  }
0xe2: {  	v0 =	vmax.f32 v0, $0.0e+00;
	v1 =	vmax.f32 v1, $0.0e+00;
	v3 =	vadd.f32 v3, v5;
	v5 =	vld [tilespmem:s17+$0xFFFFFFB0]  }
0xe3: {  	[tilespmem:s17+$0xFFFFEA20] =	vst v0;
	v0 =	vadd.f32 v4, v6;
	v4 =	vld [tilespmem:s19+$0x10]  }
0xe4: {  	[tilespmem:s17+$0xFFFFFE20] =	vst v1;
	v1 =	vmax.f32 v3, $0.0e+00;
	v3 =	vld [tilespmem:s17+$0xFFFFFF20]  }
0xe5: {  	v6 =	vld [tilespmem:s19+$0xFFFFFF20];
	[tilespmem:s17+$0xFFFFEAA0] =	vst v1;
	v0 =	vmax.f32 v0, $0.0e+00;
	v1 =	vshll.u32 v2, $0x10  }
0xe6: {  	v9 =	vld [tilespmem:s17+$0xFFFFEA30];
	[tilespmem:s17+$0xFFFFFEA0] =	vst v0;
	v0 =	vand.u32 $0xFFFF0000, v2;
	v1 =	vadd.f32 v1, v7  }
0xe7: {  	v2 =	vld [tilespmem:s19+$0xFFFFFFA0];
	v0 =	vadd.f32 v0, v5  }
0xe8: {  	v5 =	vld [tilespmem:s17+$0xFFFFFE30];
	v7 =	vshll.u32 v4, $0x10;
	v4 =	vand.u32 $0xFFFF0000, v4;
	v1 =	vmax.f32 v1, $0.0e+00  }
0xe9: {  	v10 =	vld [tilespmem:s17+$0xFFFFEAB0];
	v7 =	vadd.f32 v7, v8;
	v3 =	vadd.f32 v4, v3;
	[tilespmem:s17+$0xFFFFEBB0] =	vst v1;
	v0 =	vmax.f32 v0, $0.0e+00  }
0xea: {  	v1 =	vshll.u32 v6, $0x10;
	v4 =	vand.u32 $0xFFFF0000, v6;
	v6 =	vld [tilespmem:s17+$0xFFFFFEB0];
	[tilespmem:s17+$0xFFFFFFB0] =	vst v0  }
0xeb: {  	v0 =	vadd.f32 v1, v9;
	v1 =	vmax.f32 v7, $0.0e+00;
	v3 =	vmax.f32 v3, $0.0e+00;
	v7 =	vld [tilespmem:s19+$0xB0]  }
0xec: {  	v8 =	vshll.u32 v2, $0x10;
	v2 =	vand.u32 $0xFFFF0000, v2;
	[tilespmem:s17+$0xFFFFEB20] =	vst v1;
	v1 =	vld [tilespmem:s17+$0xFFFFEBC0]  }
0xed: {  	v0 =	vmax.f32 v0, $0.0e+00;
	v4 =	vadd.f32 v4, v5;
	[tilespmem:s17+$0xFFFFFF20] =	vst v3;
	v3 =	vld [tilespmem:s17+$0xFFFFFFC0]  }
0xee: {  	[tilespmem:s17+$0xFFFFEA30] =	vst v0;
	v0 =	vadd.f32 v8, v10;
	v5 =	vld [tilespmem:s19+$0x20]  }
0xef: {  	v4 =	vmax.f32 v4, $0.0e+00;
	v2 =	vadd.f32 v2, v6;
	v6 =	vld [tilespmem:s17+$0xFFFFEB30]  }
0xf0: {  	[tilespmem:s17+$0xFFFFFE30] =	vst v4;
	v0 =	vmax.f32 v0, $0.0e+00;
	v4 =	vld [tilespmem:s17+$0xFFFFFF30];
	v8 =	vshll.u32 v7, $0x10  }
0xf1: {  	v9 =	vld [tilespmem:s19+$0xFFFFFF30];
	[tilespmem:s17+$0xFFFFEAB0] =	vst v0;
	v0 =	vmax.f32 v2, $0.0e+00;
	v2 =	vand.u32 $0xFFFF0000, v7;
	v1 =	vadd.f32 v8, v1  }
0xf2: {  	v7 =	vld [tilespmem:s17+$0xFFFFEA40];
	[tilespmem:s17+$0xFFFFFEB0] =	vst v0;
	v0 =	vadd.f32 v2, v3  }
0xf3: {  	v2 =	vld [tilespmem:s19+$0xFFFFFFB0];
	v3 =	vshll.u32 v5, $0x10;
	v5 =	vand.u32 $0xFFFF0000, v5;
	v1 =	vmax.f32 v1, $0.0e+00  }
0xf4: {  	v8 =	vld [tilespmem:s17+$0xFFFFFE40];
	v3 =	vadd.f32 v3, v6;
	[tilespmem:s17+$0xFFFFEBC0] =	vst v1;
	v0 =	vmax.f32 v0, $0.0e+00  }
0xf5: {  	v1 =	vld [tilespmem:s17+$0xFFFFEAC0];
	v4 =	vadd.f32 v5, v4;
	[tilespmem:s17+$0xFFFFFFC0] =	vst v0  }
0xf6: {  	v0 =	vshll.u32 v9, $0x10;
	v5 =	vand.u32 $0xFFFF0000, v9;
	v3 =	vmax.f32 v3, $0.0e+00;
	v6 =	vld [tilespmem:s19+$0xC0]  }
0xf7: {  	v0 =	vadd.f32 v0, v7;
	[tilespmem:s17+$0xFFFFEB30] =	vst v3;
	v3 =	vmax.f32 v4, $0.0e+00;
	v4 =	vld [tilespmem:s17+$0xFFFFEBD0]  }
0xf8: {  	v7 =	vshll.u32 v2, $0x10;
	v2 =	vand.u32 $0xFFFF0000, v2;
	[tilespmem:s17+$0xFFFFFF30] =	vst v3;
	v3 =	vld [tilespmem:s17+$0xFFFFFFD0]  }
0xf9: {  	v0 =	vmax.f32 v0, $0.0e+00;
	v5 =	vadd.f32 v5, v8;
	v8 =	vld [tilespmem:s19+$0x30]  }
0xfa: {  	[tilespmem:s17+$0xFFFFEA40] =	vst v0;
	v0 =	vadd.f32 v7, v1;
	v1 =	vld [tilespmem:s17+$0xFFFFFEC0]  }
0xfb: {  	v5 =	vmax.f32 v5, $0.0e+00;
	v7 =	vld [tilespmem:s17+$0xFFFFEB40];
	v9 =	vshll.u32 v6, $0x10  }
0xfc: {  	v6 =	vand.u32 $0xFFFF0000, v6;
	[tilespmem:s17+$0xFFFFFE40] =	vst v5;
	v0 =	vmax.f32 v0, $0.0e+00;
	v5 =	vld [tilespmem:s17+$0xFFFFFF40];
	v4 =	vadd.f32 v9, v4  }
0xfd: {  	v9 =	vld [tilespmem:s19+$0xFFFFFF40];
	[tilespmem:s17+$0xFFFFEAC0] =	vst v0;
	v0 =	vadd.f32 v6, v3  }
0xfe: {  	v3 =	vld [tilespmem:s17+$0xFFFFEA50];
	v6 =	vshll.u32 v8, $0x10;
	v8 =	vand.u32 $0xFFFF0000, v8;
	v4 =	vmax.f32 v4, $0.0e+00  }
0xff: {  	v10 =	vld [tilespmem:s17+$0xFFFFFE50];
	v1 =	vadd.f32 v2, v1;
	[tilespmem:s17+$0xFFFFEBD0] =	vst v4;
	v0 =	vmax.f32 v0, $0.0e+00  }
0x100: {  	v2 =	vld [tilespmem:s17+$0xFFFFEAD0];
	v4 =	vadd.f32 v6, v7;
	[tilespmem:s17+$0xFFFFFFD0] =	vst v0  }
0x101: {  	v0 =	vmax.f32 v1, $0.0e+00;
	v1 =	vadd.f32 v8, v5;
	v5 =	vld [tilespmem:s19+$0xD0]  }
0x102: {  	v6 =	vshll.u32 v9, $0x10;
	v7 =	vand.u32 $0xFFFF0000, v9;
	[tilespmem:s17+$0xFFFFFEC0] =	vst v0;
	v0 =	vmax.f32 v4, $0.0e+00;
	v4 =	vld [tilespmem:s17+$0xFFFFEBE0]  }
0x103: {  	v3 =	vadd.f32 v6, v3;
	[tilespmem:s17+$0xFFFFEB40] =	vst v0;
	v0 =	vmax.f32 v1, $0.0e+00;
	v1 =	vld [tilespmem:s17+$0xFFFFFFE0]  }
0x104: {  	v6 =	vadd.f32 v7, v10;
	v7 =	vld [tilespmem:s19+$0xFFFFFFC0];
	[tilespmem:s17+$0xFFFFFF40] =	vst v0  }
0x105: {  	v0 =	vmax.f32 v3, $0.0e+00;
	v3 =	vld [tilespmem:s19+$0x40]  }
0x106: {  	[tilespmem:s17+$0xFFFFEA50] =	vst v0;
	v0 =	vmax.f32 v6, $0.0e+00;
	v6 =	vld [tilespmem:s17+$0xFFFFFED0];
	v8 =	vshll.u32 v5, $0x10  }
0x107: {  	v5 =	vand.u32 $0xFFFF0000, v5;
	[tilespmem:s17+$0xFFFFFE50] =	vst v0;
	v0 =	vld [tilespmem:s17+$0xFFFFEB50];
	v4 =	vadd.f32 v8, v4  }
0x108: {  	v8 =	vld [tilespmem:s17+$0xFFFFFF50];
	v1 =	vadd.f32 v5, v1  }
0x109: {  	v5 =	vld [tilespmem:s19+$0xFFFFFF50];
	v9 =	vshll.u32 v7, $0x10;
	v7 =	vand.u32 $0xFFFF0000, v7;
	v4 =	vmax.f32 v4, $0.0e+00  }
0x10a: {  	v10 =	vld [tilespmem:s17+$0xFFFFEA60];
	v11 =	vshll.u32 v3, $0x10;
	v3 =	vand.u32 $0xFFFF0000, v3;
	[tilespmem:s17+$0xFFFFEBE0] =	vst v4;
	v1 =	vmax.f32 v1, $0.0e+00  }
0x10b: {  	v2 =	vadd.f32 v9, v2;
	v4 =	vld [tilespmem:s17+$0xFFFFFE60];
	v6 =	vadd.f32 v7, v6;
	[tilespmem:s17+$0xFFFFFFE0] =	vst v1  }
0x10c: {  	v0 =	vadd.f32 v11, v0;
	v1 =	vld [tilespmem:s19+$0xE0]  }
0x10d: {  	v2 =	vmax.f32 v2, $0.0e+00;
	v6 =	vmax.f32 v6, $0.0e+00;
	v3 =	vadd.f32 v3, v8;
	v7 =	vld [tilespmem:s17+$0xFFFFEBF0]  }
0x10e: {  	v8 =	vshll.u32 v5, $0x10;
	v5 =	vand.u32 $0xFFFF0000, v5;
	[tilespmem:s17+$0xFFFFEAD0] =	vst v2;
	v0 =	vmax.f32 v0, $0.0e+00;
	v2 =	vld [tilespmem:s17+$0xFFFFFFF0]  }
0x10f: {  	v8 =	vadd.f32 v8, v10;
	[tilespmem:s17+$0xFFFFFED0] =	vst v6;
	v6 =	vld [tilespmem:s17+$0xFFFFEAE0];
	v3 =	vmax.f32 v3, $0.0e+00  }
0x110: {  	v4 =	vadd.f32 v5, v4;
	v5 =	vld [tilespmem:s19+$0xFFFFFFD0];
	[tilespmem:s17+$0xFFFFEB50] =	vst v0  }
0x111: {  	v0 =	vmax.f32 v8, $0.0e+00;
	v8 =	vld [tilespmem:s17+$0xFFFFFEE0];
	[tilespmem:s17+$0xFFFFFF50] =	vst v3;
	v3 =	vshll.u32 v1, $0x10  }
0x112: {  	v1 =	vand.u32 $0xFFFF0000, v1;
	[tilespmem:s17+$0xFFFFEA60] =	vst v0;
	v0 =	vmax.f32 v4, $0.0e+00;
	v4 =	vld [tilespmem:s19+$0x50];
	v3 =	vadd.f32 v3, v7  }
0x113: {  	[tilespmem:s17+$0xFFFFFE60] =	vst v0;
	v0 =	vld [tilespmem:s17+$0xFFFFEB60];
	v1 =	vadd.f32 v1, v2  }
0x114: {  	v2 =	vld [tilespmem:s17+$0xFFFFFF60];
	v3 =	vmax.f32 v3, $0.0e+00  }
0x115: {  	v7 =	vld [tilespmem:s19+$0xFFFFFF60];
	v9 =	vshll.u32 v5, $0x10;
	v5 =	vand.u32 $0xFFFF0000, v5;
	[tilespmem:s17+$0xFFFFEBF0] =	vst v3;
	v1 =	vmax.f32 v1, $0.0e+00  }
0x116: {  	v3 =	vld [tilespmem:s17+$0xFFFFEA70];
	v6 =	vadd.f32 v9, v6;
	v5 =	vadd.f32 v5, v8;
	[tilespmem:s17+$0xFFFFFFF0] =	vst v1  }
0x117: {  	v1 =	vshll.u32 v4, $0x10;
	v4 =	vand.u32 $0xFFFF0000, v4;
	v8 =	vld [tilespmem:s19+$0xF0]  }
0x118: {  	v6 =	vmax.f32 v6, $0.0e+00;
	v5 =	vmax.f32 v5, $0.0e+00;
	v0 =	vadd.f32 v1, v0;
	v1 =	vld [tilespmem:s17+$0x0]  }
0x119: {  	v9 =	vld [tilespmem:s17+$0xFFFFFE70];
	[tilespmem:s17+$0xFFFFEAE0] =	vst v6;
	v2 =	vadd.f32 v4, v2  }
0x11a: {  	v4 =	vshll.u32 v7, $0x10;
	v6 =	vand.u32 $0xFFFF0000, v7;
	[tilespmem:s17+$0xFFFFFEE0] =	vst v5;
	v5 =	vld [tilespmem:s17+$0xFFFFEAF0];
	v0 =	vmax.f32 v0, $0.0e+00  }
0x11b: {  	v3 =	vadd.f32 v4, v3;
	v4 =	vld [tilespmem:s19+$0xFFFFFFE0];
	[tilespmem:s17+$0xFFFFEB60] =	vst v0;
	v0 =	vmax.f32 v2, $0.0e+00  }
0x11c: {  	v2 =	vld [tilespmem:s17+$0xFFFFFEF0];
	[tilespmem:s17+$0xFFFFFF60] =	vst v0;
	v0 =	vshll.u32 v8, $0x10;
	v7 =	vand.u32 $0xFFFF0000, v8  }
0x11d: {  	v3 =	vmax.f32 v3, $0.0e+00;
	v8 =	vld [tilespmem:s19+$0x60];
	v1 =	vadd.f32 v7, v1  }
0x11e: {  	[tilespmem:s17+$0xFFFFEA70] =	vst v3;
	v3 =	vadd.f32 v6, v9;
	v6 =	vld [tilespmem:s17+$0xFFFFEB70]  }
0x11f: {  	v7 =	vld [tilespmem:s17+$0xFFFFFF70];
	v1 =	vmax.f32 v1, $0.0e+00  }
0x120: {  	v3 =	vmax.f32 v3, $0.0e+00;
	v9 =	vld [tilespmem:s17+$0xFFFFEA80];
	v10 =	vshll.u32 v4, $0x10;
	v4 =	vand.u32 $0xFFFF0000, v4;
	[tilespmem:s17+$0x0] =	vst v1  }
0x121: {  	[tilespmem:s17+$0xFFFFFE70] =	vst v3;
	v11 =	vld [tilespmem:s17+$0xFFFFFE80];
	v1 =	vadd.f32 v10, v5;
	v2 =	vadd.f32 v4, v2  }
0x122: {  	v4 =	vld [tilespmem:s19+$0xFFFFFF70];
	v3 =	vshll.u32 v8, $0x10;
	v5 =	vand.u32 $0xFFFF0000, v8  }
0x123: {  	v8 =	vmax.f32 v1, $0.0e+00;
	v2 =	vmax.f32 v2, $0.0e+00;
	v1 =	vld [tilespmem:s17+$0xFFFFEB00];
	v6 =	vadd.f32 v3, v6  }
0x124: {  	[tilespmem:s17+$0xFFFFEAF0] =	vst v8;
	v3 =	vld [tilespmem:s17+$0xFFFFFF00];
	v5 =	vadd.f32 v5, v7  }
.Ltmp3:
0x125: {  	[tilespmem:s17+$0xFFFFFEF0] =	vst v2;
	v7 =	vmax.f32 v6, $0.0e+00;
	v2 =	vld [tilespmem:s17+$0xFFFFEB80];
	(pc) =	sbr.rel @p1 .LBB2_8-.Ltmp3, $4  }
0x126: {  	v6 =	vld [tilespmem:s19+$0xFFFFFFF0];
	[tilespmem:s17+$0xFFFFEB70] =	vst v7;
	v5 =	vmax.f32 v5, $0.0e+00  }
0x127: {  	v7 =	vshll.u32 v4, $0x10;
	v8 =	vand.u32 $0xFFFF0000, v4;
	[tilespmem:s17+$0xFFFFFF70] =	vst v5;
	v4 =	vld [tilespmem:s17+$0xFFFFFF80]  }
0x128: {  	v9 =	vadd.f32 v7, v9;
	v8 =	vadd.f32 v8, v11;
	v7 =	vld [tilespmem:s19+$0x70]  }
0x129: {  	s19 =	sadd.s32 $0x200, s19;
	v5 =	vld [tilespmem:s17+$0xFFFFEC00]  }
0x12a: {  	_ = 	snop  }
0x12b: {  	v10 =	vshll.u32 v6, $0x10  }
0x12c: {  	v9 =	vmax.f32 v9, $0.0e+00;
	v58 =	vand.u32 $0xFFFF0000, v6;
	v1 =	vadd.f32 v10, v1  }
0x12d: {  	v8 =	vmax.f32 v8, $0.0e+00;
	[tilespmem:s28+$0xFFFFEA80] =	vst v9;
	v3 =	vadd.f32 v58, v3;
	v59 =	vshll.u32 v7, $0x10  }
0x12e: {  	[tilespmem:s28+$0xFFFFFE80] =	vst v8;
	v60 =	vand.u32 $0xFFFF0000, v7;
	v1 =	vmax.f32 v1, $0.0e+00;
	v2 =	vadd.f32 v59, v2  }
0x12f: {  	v4 =	vadd.f32 v60, v4;
	v61 =	vmax.f32 v3, $0.0e+00;
	[tilespmem:s28+$0xFFFFEB00] =	vst v1  }
0x130: {  	v0 =	vadd.f32 v0, v5;
	[tilespmem:s28+$0xFFFFFF00] =	vst v61;
	v62 =	vmax.f32 v2, $0.0e+00  }
0x131: {  	v63 =	vmax.f32 v4, $0.0e+00;
	[tilespmem:s28+$0xFFFFEB80] =	vst v62  }
0x132: {  	p1 =	slt.u32 s14, $0x2;
	v0 =	vmax.f32 v0, $0.0e+00;
	[tilespmem:s28+$0xFFFFFF80] =	vst v63  }
0x133: {  	s14 =	simm.s32 @!p1 $0x1;
	[tilespmem:s28+$0xFFFFEC00] =	vst v0  }
0x134: {  	_ =	swait.ge @!p1 [sflag:s14], $0x50  }
0x135: {  	[sflag:s14] =	ssyncset.done @!p1 $0x0  }
0x136: {  	[sflag:s14] =	ssyncadd.s32 @!p1 $0xFFFFFFB0;
	p1 =	slt.u32 s16, $0x7D  }
.Ltmp4:
0x137: {  	_ = 	snop;
	(pc) =	sbr.rel @p1 .LBB2_2-.Ltmp4, $4  }
0x138: {  	_ = 	snop  }
0x139: {  	s15 =	sshll.u32 s15, $0x7  }
0x13a: {  	s28 =	sadd.s32 $0x16080, s15;
	s14 =	smov.u32 s16  }
0x13b: {  	[spmem:s3] =	stream.indirect.scatter.add.f32 [tilespmem:s26], [sflag:$0x4], $0x80, s28, s0, $0xb8;
	[tilespmem:$0x1D980] =	vst v63  }
0x13c: {  	_ =	swait.ge [sflag:s8], $0x2800  }
0x13d: {  	[sflag:s8] =	ssyncset.done $0x0  }
0x13e: {  	[sflag:s8] =	ssyncadd.s32 $0xFFFFD800  }
0x13f: {  	[bflag:$0x0] =	sbarrier.arrive $0xFFFF  }
0x140: {  	[hbm:s22], [sflag:s10] =	dma.local [spmem:s11], $0x2700  }
0x141: {  	s9 =	sadd.s32 $0x1, s9;
	_ =	swait.ge [sflag:s25], $0x2700  }
0x142: {  	p1 =	sne.s32 s9, s24;
	[sflag:s25] =	ssyncset.done $0x0  }
.Ltmp5:
0x143: {  	s11 =	simm.s32 @!p0 $0x5;
	[sflag:s25] =	ssyncadd.s32 $0xFFFFD900;
	(pc) =	sbr.rel @p1 .LBB2_1-.Ltmp5, $4  }
0x144: {  	[hbm:s23], [sflag:s10] =	dma.local @!p0 [spmem:s13], $0x100  }
0x145: {  	_ =	swait.ge @!p0 [sflag:s11], $0x100  }
0x146: {  	[sflag:s11] =	ssyncset.done @!p0 $0x0  }
0x147: {  	[sflag:s11] =	ssyncadd.s32 @!p0 $0xFFFFFF00  }
0x148: {  	_ =	sfence.sel $0x180000  }
0x149: {  	[bflag:$0x0] =	sbarrier.arrive $0xFFFF  }
0x14a: {  	_ =	strace $0x90000047  }
0x14b: {  	s0 =	stileid.u32;
	[bflag:$0x2] =	sbarrier.arrive $0xFFFF  }
0x14c: {  	p0 =	sne.s32 s0, $0x0;
	s0 =	rddreg [dreg:$0x3]  }
0x14d: {  	s0 =	sadd.s32 @!p0 $0x100000, s0  }
0x14e: {  	[sflag:s0] =	ssyncadd.tile.s32 @!p0 $0x1;
	_ =	shalt  }
.Lfunc_end2:
_tile_overlayer_lowered:
.L_overlay_start_2:
0x14f: {  	(tag) =	ssettag $0x2  }
0x150: {  	s0 =	rddreg [dreg:$0x0];
	s2 =	stileid.u32  }
0x151: {  	s1 =	rddreg [dreg:$0x1];
	p0 =	sne.s32 s2, $0x0  }
0x152: {  	s3 =	rddreg [dreg:$0x2];
	[bflag:$0x3] =	sbarrier.arrive $0xFFFF;
	s2 =	simm.s32 @!p0 $0x1C05  }
0x153: {  	[timem:s3], [sflag:s2] =	dma.local @!p0 [hbm:s0], s1  }
0x154: {  	s0 =	simm.s32 @!p0 $0x5  }
0x155: {  	_ =	swait.ge @!p0 [sflag:s0], s1  }
0x156: {  	s1 =	ssub.s32 @!p0 $0x0, s1;
	[sflag:s0] =	ssyncset.done @!p0 $0x0  }
0x157: {  	[sflag:s0] =	ssyncadd.s32 @!p0 s1  }
0x158: {  	[bflag:$0x3] =	sbarrier.arrive $0xFFFF  }
0x159: {  	_ =	shalt  }

</sc_bundles>
